<compile_context>
chip_gen: v7x
topology: tpu7x:2x2x1
jax: 0.10.2.dev20260603
libtpu: 0.0.44.dev20260713+nightly
codegen_flags: <defaults>
</compile_context>

<pallas_src>
import functools
import math

import jax
import jax.numpy as jnp
from jax import lax
from jax.experimental import pallas as pl
from jax.experimental.pallas import tpu as pltpu
from jax.experimental.pallas import tpu_sc as plsc

N = 10000
E = 320000
D = 128
H = 8
DH = 16

BN = 400
BE = 1000


def _k1_body(x_ref, wq_ref, wk_ref, wv_ref, sqc_ref, maxn_ref, tdst_ref, tsrc_ref):
    x = x_ref[...]
    q = lax.dot_general(x, wq_ref[...], (((1,), (1,)), ((), ())),
                        preferred_element_type=jnp.float32)
    k = lax.dot_general(x, wk_ref[...], (((1,), (1,)), ((), ())),
                        preferred_element_type=jnp.float32)
    v = lax.dot_general(x, wv_ref[...], (((1,), (1,)), ((), ())),
                        preferred_element_type=jnp.float32)
    sqc = sqc_ref[...]
    maxn = maxn_ref[...]
    e_norm = jnp.maximum(jnp.sqrt(jnp.sum(x * x, axis=1, keepdims=True)), 1e-15)
    arg = sqc * e_norm
    m = jnp.tanh(arg) * x / arg
    nm = jnp.sqrt(jnp.sum(m * m, axis=1, keepdims=True))
    m = m * jnp.where(nm > maxn, maxn / nm, 1.0)
    tdst_ref[:, :D] = q
    tdst_ref[:, D:] = m
    tsrc_ref[:, :D] = k
    tsrc_ref[:, D:2 * D] = v
    tsrc_ref[:, 2 * D:] = m


def _k2_body(gd_ref, gs_ref, te_ref, etf_ref, di_ref,
             rq_ref, rk_ref, rv_ref, wt_ref, bt_ref,
             wd1_ref, bd1_ref, wd2_ref, bd2_ref,
             ds_ref, hb_ref, sp_ref, rep_ref,
             wv_ref, exp_ref):
    gd = gd_ref[...]
    gs = gs_ref[...]
    etf = etf_ref[...]
    rq = rq_ref[0:1, :] + etf * (rq_ref[1:2, :] - rq_ref[0:1, :])
    rk = rk_ref[0:1, :] + etf * (rk_ref[1:2, :] - rk_ref[0:1, :])
    rv = rv_ref[0:1, :] + etf * (rv_ref[1:2, :] - rv_ref[0:1, :])
    tk = lax.dot_general(te_ref[...], wt_ref[...], (((1,), (1,)), ((), ())),
                         preferred_element_type=jnp.float32) + bt_ref[...]
    q = gd[:, :D] + rq
    k = gs[:, :D] + rk + tk
    v = gs[:, D:2 * D] + rv
    dm = gs[:, 2 * D:] - gd[:, D:]
    h1 = jax.nn.relu(lax.dot_general(di_ref[...], wd1_ref[...],
                                     (((1,), (1,)), ((), ())),
                                     preferred_element_type=jnp.float32)
                     + bd1_ref[...])
    draw = jnp.tanh(lax.dot_general(h1, wd2_ref[...], (((1,), (1,)), ((), ())),
                                    preferred_element_type=jnp.float32)
                    + bd2_ref[...])
    decay = jnp.exp(ds_ref[...] * draw)
    p = q * k
    eterm = lax.dot_general(p, sp_ref[...], (((1,), (0,)), ((), ())),
                            preferred_element_type=jnp.float32)
    dist = jnp.sqrt(jnp.sum(dm * dm, axis=1, keepdims=True))
    logits = decay * (eterm - dist * hb_ref[...])
    ex = jnp.exp(logits)
    exrep = lax.dot_general(ex, rep_ref[...], (((1,), (0,)), ((), ())),
                            preferred_element_type=jnp.float32)
    wv_ref[...] = v * exrep
    exp_ref[...] = exrep


def _k3_body(x_ref, accv_ref, accs_ref, wo_ref, bo_ref,
             g1_ref, b1_ref, g2_ref, b2_ref,
             wf1_ref, bf1_ref, wf2_ref, bf2_ref, out_ref):
    x = x_ref[...]
    agg = accv_ref[...] / accs_ref[...]
    out = lax.dot_general(agg, wo_ref[...], (((1,), (1,)), ((), ())),
                          preferred_element_type=jnp.float32) + bo_ref[...]
    h = x + out
    mu = jnp.mean(h, axis=1, keepdims=True)
    var = jnp.mean((h - mu) * (h - mu), axis=1, keepdims=True)
    x1 = (h - mu) / jnp.sqrt(var + 1e-5) * g1_ref[...] + b1_ref[...]
    f1 = lax.dot_general(x1, wf1_ref[...], (((1,), (1,)), ((), ())),
                         preferred_element_type=jnp.float32) + bf1_ref[...]
    g = 0.5 * f1 * (1.0 + lax.erf(f1 * (1.0 / math.sqrt(2.0))))
    f = lax.dot_general(g, wf2_ref[...], (((1,), (1,)), ((), ())),
                        preferred_element_type=jnp.float32) + bf2_ref[...]
    h2 = x1 + f
    mu2 = jnp.mean(h2, axis=1, keepdims=True)
    var2 = jnp.mean((h2 - mu2) * (h2 - mu2), axis=1, keepdims=True)
    out_ref[...] = (h2 - mu2) / jnp.sqrt(var2 + 1e-5) * g2_ref[...] + b2_ref[...]


_NW = 16
_EPW = E // _NW
_CH = 80
_NIT = _EPW // _CH
_NPW = 624
_NREM = N - _NW * _NPW


@functools.lru_cache(maxsize=None)
def _make_sc_kernels():
    mesh = plsc.VectorSubcoreMesh(core_axis_name="c", subcore_axis_name="s",
                                  num_cores=1)

    @functools.partial(
        pl.kernel, mesh=mesh,
        out_type=[jax.ShapeDtypeStruct((E, 2 * D), jnp.float32),
                  jax.ShapeDtypeStruct((E, 3 * D), jnp.float32)],
        scratch_types=[pltpu.VMEM((_CH,), jnp.int32),
                       pltpu.VMEM((_CH, 2 * D), jnp.float32),
                       pltpu.VMEM((_CH, 3 * D), jnp.float32),
                       pltpu.SemaphoreType.DMA],
    )
    def sc_gather(tdst_hbm, tsrc_hbm, dst_hbm, src_hbm, gd_hbm, gs_hbm,
                  idx_v, rowd_v, rows_v, sem):
        base0 = lax.axis_index("s") * _EPW

        def body(i, carry):
            base = base0 + i * _CH
            pltpu.sync_copy(dst_hbm.at[pl.ds(base, _CH)], idx_v)
            pltpu.async_copy(tdst_hbm.at[idx_v], rowd_v, sem).wait()
            pltpu.sync_copy(rowd_v, gd_hbm.at[pl.ds(base, _CH)])
            pltpu.sync_copy(src_hbm.at[pl.ds(base, _CH)], idx_v)
            pltpu.async_copy(tsrc_hbm.at[idx_v], rows_v, sem).wait()
            pltpu.sync_copy(rows_v, gs_hbm.at[pl.ds(base, _CH)])
            return carry

        lax.fori_loop(0, _NIT, body, 0)

    @functools.partial(
        pl.kernel, mesh=mesh,
        out_type=jax.ShapeDtypeStruct((N, D), jnp.float32),
        scratch_types=[pltpu.VMEM((_CH,), jnp.int32),
                       pltpu.VMEM((_CH, D), jnp.float32),
                       pltpu.VMEM_SHARED((N, D), jnp.float32)],
    )
    def sc_scatter(val_hbm, dst_hbm, z_hbm, acc_hbm, idx_v, row_v, sh):
        w = lax.axis_index("s")
        nb = w * _NPW
        pltpu.sync_copy(z_hbm.at[pl.ds(nb, _NPW)], sh.at[pl.ds(nb, _NPW)])

        @pl.when(w == 0)
        def _zero_rem():
            pltpu.sync_copy(z_hbm.at[pl.ds(_NW * _NPW, _NREM)],
                            sh.at[pl.ds(_NW * _NPW, _NREM)])

        plsc.subcore_barrier()
        base0 = w * _EPW

        def body(i, carry):
            base = base0 + i * _CH
            pltpu.sync_copy(dst_hbm.at[pl.ds(base, _CH)], idx_v)
            pltpu.sync_copy(val_hbm.at[pl.ds(base, _CH)], row_v)
            pltpu.sync_copy(row_v, sh.at[idx_v], add=True)
            return carry

        lax.fori_loop(0, _NIT, body, 0)
        plsc.subcore_barrier()
        pltpu.sync_copy(sh.at[pl.ds(nb, _NPW)], acc_hbm.at[pl.ds(nb, _NPW)])

        @pl.when(w == 0)
        def _out_rem():
            pltpu.sync_copy(sh.at[pl.ds(_NW * _NPW, _NREM)],
                            acc_hbm.at[pl.ds(_NW * _NPW, _NREM)])

    return sc_gather, sc_scatter

def _full(shape):
    return pl.BlockSpec(shape, lambda i: tuple(0 for _ in shape))


def kernel(x, edge_index, time_emb, edge_type, edge_time, Wq, Wk, Wv, RQ, RK,
           RV, Wt, bt, Wd1, bd1, Wd2, bd2, decay_scale, c_mag, hyp_beta,
           logit_alpha, Wo, bo, g1, b1, g2, b2, Wf1, bf1, Wf2, bf2):
    src = edge_index[0]
    dst = edge_index[1]
    f32 = jnp.float32
    abs_c = jnp.maximum(jnp.abs(c_mag), 1e-15)
    sqc = jnp.sqrt(abs_c).reshape(1, 1)
    maxn = ((1.0 - 1e-5) / jnp.sqrt(abs_c)).reshape(1, 1)
    alpha = jax.nn.sigmoid(logit_alpha)
    denom = jnp.maximum(1.0, jnp.max(edge_type).astype(f32) + 1.0)
    etf = edge_type.astype(f32).reshape(E, 1)
    di = jnp.concatenate([edge_time.reshape(E, 1), etf / denom], axis=1)
    hids = jnp.arange(D, dtype=jnp.int32) // DH
    onehot = (hids[:, None] == jnp.arange(H, dtype=jnp.int32)[None, :])
    sp = onehot.astype(f32) * (alpha[None, :] / math.sqrt(DH))
    rep = onehot.astype(f32).T
    hb = ((1.0 - alpha) * hyp_beta).reshape(1, H)
    ds = decay_scale.reshape(1, H)

    gn = N // BN
    tdst, tsrc = pl.pallas_call(
        _k1_body,
        grid=(gn,),
        in_specs=[pl.BlockSpec((BN, D), lambda i: (i, 0)),
                  _full((D, D)), _full((D, D)), _full((D, D)),
                  _full((1, 1)), _full((1, 1))],
        out_specs=[pl.BlockSpec((BN, 2 * D), lambda i: (i, 0)),
                   pl.BlockSpec((BN, 3 * D), lambda i: (i, 0))],
        out_shape=[jax.ShapeDtypeStruct((N, 2 * D), f32),
                   jax.ShapeDtypeStruct((N, 3 * D), f32)],
    )(x, Wq, Wk, Wv, sqc, maxn)

    sc_gather, sc_scatter = _make_sc_kernels()
    gd, gs = sc_gather(tdst, tsrc, dst, src)

    ge = E // BE
    wv, exP = pl.pallas_call(
        _k2_body,
        grid=(ge,),
        in_specs=[pl.BlockSpec((BE, 2 * D), lambda i: (i, 0)),
                  pl.BlockSpec((BE, 3 * D), lambda i: (i, 0)),
                  pl.BlockSpec((BE, 32), lambda i: (i, 0)),
                  pl.BlockSpec((BE, 1), lambda i: (i, 0)),
                  pl.BlockSpec((BE, 2), lambda i: (i, 0)),
                  _full((2, D)), _full((2, D)), _full((2, D)),
                  _full((D, 32)), _full((1, D)),
                  _full((64, 2)), _full((1, 64)),
                  _full((H, 64)), _full((1, H)),
                  _full((1, H)), _full((1, H)),
                  _full((D, H)), _full((H, D))],
        out_specs=[pl.BlockSpec((BE, D), lambda i: (i, 0)),
                   pl.BlockSpec((BE, D), lambda i: (i, 0))],
        out_shape=[jax.ShapeDtypeStruct((E, D), f32),
                   jax.ShapeDtypeStruct((E, D), f32)],
    )(gd, gs, time_emb, etf, di, RQ, RK, RV, Wt, bt.reshape(1, D),
      Wd1, bd1.reshape(1, 64), Wd2, bd2.reshape(1, H), ds, hb, sp, rep)

    zv = jnp.zeros((N, D), f32)
    accv = sc_scatter(wv, dst, zv)
    accs = sc_scatter(exP, dst, zv)

    out = pl.pallas_call(
        _k3_body,
        grid=(gn,),
        in_specs=[pl.BlockSpec((BN, D), lambda i: (i, 0)),
                  pl.BlockSpec((BN, D), lambda i: (i, 0)),
                  pl.BlockSpec((BN, D), lambda i: (i, 0)),
                  _full((D, D)), _full((1, D)),
                  _full((1, D)), _full((1, D)), _full((1, D)), _full((1, D)),
                  _full((4 * D, D)), _full((1, 4 * D)),
                  _full((D, 4 * D)), _full((1, D))],
        out_specs=pl.BlockSpec((BN, D), lambda i: (i, 0)),
        out_shape=jax.ShapeDtypeStruct((N, D), f32),
    )(x, accv, accs, Wo, bo.reshape(1, D), g1.reshape(1, D),
      b1.reshape(1, D), g2.reshape(1, D), b2.reshape(1, D),
      Wf1, bf1.reshape(1, 4 * D), Wf2, bf2.reshape(1, D))
    return out

# --- scband reference (transcript-rebuilt; emitter-appended) ---
"""Pipeline reference for scband-dual-hybrid-layer-67740224192582 (READ-ONLY COPY).

The authoritative reference and input builder live on the scoring server;
editing this copy changes nothing except your own understanding.
"""

import math
import jax, jax.numpy as jnp
import numpy as np

N = 10000
E = 320000
D = 128
H = 8
DH = 16
TD = 32
NT = 2


def _xavier(key, shape):
    fan_out, fan_in = shape[0], shape[1]
    limit = math.sqrt(6.0 / (fan_in + fan_out))
    return jax.random.uniform(key, shape, jnp.float32, -limit, limit)


def _ln(x, g, b):
    mu = jnp.mean(x, axis=-1, keepdims=True)
    var = jnp.var(x, axis=-1, keepdims=True)
    return (x - mu) / jnp.sqrt(var + 1e-5) * g + b


def setup_inputs(seed: int = 0) -> dict:
    key = jax.random.key(seed)
    ks = jax.random.split(key, 24)
    inp = {}
    inp['x'] = jax.random.normal(ks[0], (N, D), jnp.float32)
    inp['edge_index'] = jax.random.randint(ks[1], (2, E), 0, N, dtype=jnp.int32)
    inp['time_emb'] = jax.random.normal(ks[2], (E, TD), jnp.float32)
    inp['edge_type'] = jax.random.randint(ks[3], (E,), 0, NT, dtype=jnp.int32)
    inp['edge_time'] = jax.random.uniform(ks[4], (E,), jnp.float32)
    inp['Wq'] = _xavier(ks[5], (D, D))
    inp['Wk'] = _xavier(ks[6], (D, D))
    inp['Wv'] = _xavier(ks[7], (D, D))
    inp['RQ'] = _xavier(ks[8], (NT, D))
    inp['RK'] = _xavier(ks[9], (NT, D))
    inp['RV'] = _xavier(ks[10], (NT, D))
    inp['Wt'] = _xavier(ks[11], (D, TD))
    inp['bt'] = jnp.zeros((D,), jnp.float32)
    inp['Wd1'] = _xavier(ks[12], (64, 2))
    inp['bd1'] = jnp.zeros((64,), jnp.float32)
    inp['Wd2'] = _xavier(ks[13], (H, 64))
    inp['bd2'] = jnp.zeros((H,), jnp.float32)
    inp['decay_scale'] = jnp.ones((H,), jnp.float32) * 0.5
    inp['c_mag'] = jnp.asarray(1.0, jnp.float32)
    inp['hyp_beta'] = jnp.ones((H,), jnp.float32)
    inp['logit_alpha'] = jnp.zeros((H,), jnp.float32)
    inp['Wo'] = _xavier(ks[14], (D, D))
    inp['bo'] = jnp.zeros((D,), jnp.float32)
    inp['g1'] = jnp.ones((D,), jnp.float32)
    inp['b1'] = jnp.zeros((D,), jnp.float32)
    inp['g2'] = jnp.ones((D,), jnp.float32)
    inp['b2'] = jnp.zeros((D,), jnp.float32)
    inp['Wf1'] = _xavier(ks[15], (4 * D, D))
    inp['bf1'] = jnp.zeros((4 * D,), jnp.float32)
    inp['Wf2'] = _xavier(ks[16], (D, 4 * D))
    inp['bf2'] = jnp.zeros((D,), jnp.float32)
    return inp


def reference(x, edge_index, time_emb, edge_type, edge_time, Wq, Wk, Wv, RQ, RK, RV, Wt, bt, Wd1, bd1, Wd2, bd2, decay_scale, c_mag, hyp_beta, logit_alpha, Wo, bo, g1, b1, g2, b2, Wf1, bf1, Wf2, bf2):
    src = edge_index[0]
    dst = edge_index[1]
    Q = (x @ Wq.T).reshape(N, H, DH)
    K = (x @ Wk.T).reshape(N, H, DH)
    V = (x @ Wv.T).reshape(N, H, DH)
    q = Q[dst] + RQ[edge_type].reshape(E, H, DH)
    k = K[src] + RK[edge_type].reshape(E, H, DH)
    v = V[src] + RV[edge_type].reshape(E, H, DH)
    k = k + (time_emb @ Wt.T + bt).reshape(E, H, DH)
    euclid_logits = jnp.sum(q * k, axis=-1) / math.sqrt(DH)
    denom = jnp.maximum(1.0, jnp.max(edge_type).astype(jnp.float32) + 1.0)
    ets = edge_type.astype(jnp.float32)[:, None] / denom
    di = jnp.concatenate([edge_time[:, None], ets], axis=-1)
    h = jax.nn.relu(di @ Wd1.T + bd1)
    decay_raw = jnp.tanh(h @ Wd2.T + bd2)
    decay = jnp.exp(decay_scale[None, :] * decay_raw)
    euclid_logits = euclid_logits * decay
    # hyperbolic branch
    c = -jnp.abs(c_mag)
    abs_c = jnp.maximum(jnp.abs(c), 1e-15)
    sqrt_c = jnp.sqrt(abs_c)
    e_norm = jnp.maximum(jnp.linalg.norm(x, axis=-1, keepdims=True), 1e-15)
    tanh_part = jnp.tanh(sqrt_c * e_norm) * x / (sqrt_c * e_norm)
    tan_part = jnp.tan(sqrt_c * e_norm) * x / (sqrt_c * e_norm)
    m = jnp.where(c < 0, tanh_part, tan_part)
    maxnorm = (1.0 - 1e-5) / sqrt_c
    nm = jnp.linalg.norm(m, axis=-1, keepdims=True)
    m = m * jnp.where(nm > maxnorm, maxnorm / nm, jnp.ones_like(nm))
    man_dist = jnp.linalg.norm(m[src] - m[dst], axis=-1)[:, None]
    hyp_logits = -hyp_beta[None, :] * man_dist * decay
    alpha = jax.nn.sigmoid(logit_alpha)[None, :]
    logits = alpha * euclid_logits + (1.0 - alpha) * hyp_logits
    smax = jax.ops.segment_max(logits, dst, num_segments=N)
    ex = jnp.exp(logits - smax[dst])
    ssum = jax.ops.segment_sum(ex, dst, num_segments=N)
    attn = ex / ssum[dst]
    agg = jax.ops.segment_sum(v * attn[:, :, None], dst, num_segments=N).reshape(N, D)
    out = agg @ Wo.T + bo
    x1 = _ln(x + out, g1, b1)
    f = jax.nn.gelu(x1 @ Wf1.T + bf1, approximate=False) @ Wf2.T + bf2
    return _ln(x1 + f, g2, b2)

if __name__ == "__main__":
    import jax
    _d = setup_inputs()
    print(jax.jit(kernel)(*tuple(_d.values())))

</pallas_src>

<mosaic_0001>
#map = affine_map<(d0, d1) -> (0, 0)>
#map1 = affine_map<(d0, d1) -> (0)>
module attributes {stable_mosaic.version = 14 : i64} {
  func.func @sc_scatter(%arg0: i32, %arg1: i32, %arg2: memref<320000x128xf32, #tpu.memory_space<hbm>>, %arg3: memref<320000xi32, #tpu.memory_space<hbm>>, %arg4: memref<10000x128xf32, #tpu.memory_space<hbm>>, %arg5: memref<10000x128xf32, #tpu.memory_space<hbm>>, %arg6: memref<80xi32, #tpu.memory_space<vmem>>, %arg7: memref<80x128xf32, #tpu.memory_space<vmem>>, %arg8: memref<10000x128xf32, #tpu.memory_space<vmem_shared>>) attributes {dimension_semantics = [#tpu.dimension_semantics<core_parallel>, #tpu.dimension_semantics<subcore_parallel>], iteration_bounds = array<i64: 1, 16>, scalar_prefetch = 0 : i64, scratch_operands = 3 : i64, tpu.core_type = #tpu.core_type<sc_vector_subcore>, window_params = [{transform_indices = #map}, {transform_indices = #map1}, {transform_indices = #map}, {transform_indices = #map}]} {
    %mul3A = arith.constant 624 : i32
    %mul3A_0 = arith.muli %arg1, %mul3A : i32
    "tpu.region"() ({
      %run_scoped3A = tpu.sem_alloc : memref<!tpu.dma_semaphore, #tpu.memory_space<semaphore_mem>>
      %dma_start3A = arith.constant 0 : i32
      %dma_start3A_16 = tpu.memref_slice %arg8[%mul3A_0, %dma_start3A] : memref<10000x128xf32, #tpu.memory_space<vmem_shared>> -> memref<624x128xf32, #tpu.memory_space<vmem_shared>>
      %dma_start3A_17 = arith.constant 0 : i32
      %dma_start3A_18 = tpu.memref_slice %arg4[%mul3A_0, %dma_start3A_17] : memref<10000x128xf32, #tpu.memory_space<hbm>> -> memref<624x128xf32, #tpu.memory_space<hbm>>
      tpu.enqueue_dma source(%dma_start3A_18 : memref<624x128xf32, #tpu.memory_space<hbm>>) target(%dma_start3A_16 : memref<624x128xf32, #tpu.memory_space<vmem_shared>>) target_semaphore(%run_scoped3A : memref<!tpu.dma_semaphore, #tpu.memory_space<semaphore_mem>>)
      %dma_wait3A = arith.constant 0 : i32
      %dma_wait3A_19 = tpu.memref_slice %arg8[%mul3A_0, %dma_wait3A] : memref<10000x128xf32, #tpu.memory_space<vmem_shared>> -> memref<624x128xf32, #tpu.memory_space<vmem_shared>>
      %dma_wait3A_20 = arith.constant 0 : i32
      %dma_wait3A_21 = tpu.memref_slice %arg4[%mul3A_0, %dma_wait3A_20] : memref<10000x128xf32, #tpu.memory_space<hbm>> -> memref<624x128xf32, #tpu.memory_space<hbm>>
      tpu.wait_dma2 semaphore(%run_scoped3A : memref<!tpu.dma_semaphore, #tpu.memory_space<semaphore_mem>>) src(%dma_wait3A_21 : memref<624x128xf32, #tpu.memory_space<hbm>>) dst(%dma_wait3A_19 : memref<624x128xf32, #tpu.memory_space<vmem_shared>>)
      tpu.yield
    }) : () -> ()
    %eq3A = arith.constant 0 : i32
    %eq3A_1 = arith.cmpi eq, %arg1, %eq3A : i32
    %convert_element_type3A = arith.extui %eq3A_1 : i1 to i32
    %cond3A = arith.constant 0 : i32
    %cond3A_2 = arith.cmpi ne, %convert_element_type3A, %cond3A : i32
    scf.if %cond3A_2 {
      "tpu.region"() ({
        %run_scoped3A = tpu.sem_alloc : memref<!tpu.dma_semaphore, #tpu.memory_space<semaphore_mem>>
        %dma_start3A = arith.constant 9984 : i32
        %dma_start3A_16 = arith.constant 0 : i32
        %dma_start3A_17 = tpu.memref_slice %arg8[%dma_start3A, %dma_start3A_16] : memref<10000x128xf32, #tpu.memory_space<vmem_shared>> -> memref<16x128xf32, #tpu.memory_space<vmem_shared>>
        %dma_start3A_18 = arith.constant 9984 : i32
        %dma_start3A_19 = arith.constant 0 : i32
        %dma_start3A_20 = tpu.memref_slice %arg4[%dma_start3A_18, %dma_start3A_19] : memref<10000x128xf32, #tpu.memory_space<hbm>> -> memref<16x128xf32, #tpu.memory_space<hbm>>
        tpu.enqueue_dma source(%dma_start3A_20 : memref<16x128xf32, #tpu.memory_space<hbm>>) target(%dma_start3A_17 : memref<16x128xf32, #tpu.memory_space<vmem_shared>>) target_semaphore(%run_scoped3A : memref<!tpu.dma_semaphore, #tpu.memory_space<semaphore_mem>>)
        %dma_wait3A = arith.constant 9984 : i32
        %dma_wait3A_21 = arith.constant 0 : i32
        %dma_wait3A_22 = tpu.memref_slice %arg8[%dma_wait3A, %dma_wait3A_21] : memref<10000x128xf32, #tpu.memory_space<vmem_shared>> -> memref<16x128xf32, #tpu.memory_space<vmem_shared>>
        %dma_wait3A_23 = arith.constant 9984 : i32
        %dma_wait3A_24 = arith.constant 0 : i32
        %dma_wait3A_25 = tpu.memref_slice %arg4[%dma_wait3A_23, %dma_wait3A_24] : memref<10000x128xf32, #tpu.memory_space<hbm>> -> memref<16x128xf32, #tpu.memory_space<hbm>>
        tpu.wait_dma2 semaphore(%run_scoped3A : memref<!tpu.dma_semaphore, #tpu.memory_space<semaphore_mem>>) src(%dma_wait3A_25 : memref<16x128xf32, #tpu.memory_space<hbm>>) dst(%dma_wait3A_22 : memref<16x128xf32, #tpu.memory_space<vmem_shared>>)
        tpu.yield
      }) : () -> ()
    } else {
    }
    %barrier3A = arith.constant 0 : index
    tpu.barrier barrier_id(%barrier3A)
    %mul3A_3 = arith.constant 20000 : i32
    %mul3A_4 = arith.muli %arg1, %mul3A_3 : i32
    %scan3A = arith.constant 0 : i32
    %scan3A_5 = arith.constant 0 : i32
    %scan3A_6 = arith.constant 250 : i32
    %scan3A_7 = arith.addi %scan3A_5, %scan3A_6 : i32
    %scan3A_8 = arith.constant 1 : i32
    scf.for %scan3A_16 = %scan3A_5 to %scan3A_7 step %scan3A_8  : i32 {
      %mul3A_17 = arith.constant 80 : i32
      %mul3A_18 = arith.muli %scan3A_16, %mul3A_17 : i32
      %add3A = arith.addi %mul3A_4, %mul3A_18 : i32
      "tpu.region"() ({
        %run_scoped3A = tpu.sem_alloc : memref<!tpu.dma_semaphore, #tpu.memory_space<semaphore_mem>>
        %dma_start3A = tpu.memref_slice %arg3[%add3A] : memref<320000xi32, #tpu.memory_space<hbm>> -> memref<80xi32, #tpu.memory_space<hbm>>
        %dma_start3A_19 = tpu.memref_slice %arg3[%add3A] : memref<320000xi32, #tpu.memory_space<hbm>> -> memref<80xi32, #tpu.memory_space<hbm>>
        tpu.enqueue_dma source(%dma_start3A_19 : memref<80xi32, #tpu.memory_space<hbm>>) target(%arg6 : memref<80xi32, #tpu.memory_space<vmem>>) target_semaphore(%run_scoped3A : memref<!tpu.dma_semaphore, #tpu.memory_space<semaphore_mem>>)
        %dma_wait3A = tpu.memref_slice %arg3[%add3A] : memref<320000xi32, #tpu.memory_space<hbm>> -> memref<80xi32, #tpu.memory_space<hbm>>
        %dma_wait3A_20 = tpu.memref_slice %arg3[%add3A] : memref<320000xi32, #tpu.memory_space<hbm>> -> memref<80xi32, #tpu.memory_space<hbm>>
        tpu.wait_dma2 semaphore(%run_scoped3A : memref<!tpu.dma_semaphore, #tpu.memory_space<semaphore_mem>>) src(%dma_wait3A_20 : memref<80xi32, #tpu.memory_space<hbm>>) dst(%arg6 : memref<80xi32, #tpu.memory_space<vmem>>)
        tpu.yield
      }) : () -> ()
      "tpu.region"() ({
        %run_scoped3A = tpu.sem_alloc : memref<!tpu.dma_semaphore, #tpu.memory_space<semaphore_mem>>
        %dma_start3A = arith.constant 0 : i32
        %dma_start3A_19 = tpu.memref_slice %arg2[%add3A, %dma_start3A] : memref<320000x128xf32, #tpu.memory_space<hbm>> -> memref<80x128xf32, #tpu.memory_space<hbm>>
        %dma_start3A_20 = arith.constant 0 : i32
        %dma_start3A_21 = tpu.memref_slice %arg2[%add3A, %dma_start3A_20] : memref<320000x128xf32, #tpu.memory_space<hbm>> -> memref<80x128xf32, #tpu.memory_space<hbm>>
        tpu.enqueue_dma source(%dma_start3A_21 : memref<80x128xf32, #tpu.memory_space<hbm>>) target(%arg7 : memref<80x128xf32, #tpu.memory_space<vmem>>) target_semaphore(%run_scoped3A : memref<!tpu.dma_semaphore, #tpu.memory_space<semaphore_mem>>)
        %dma_wait3A = arith.constant 0 : i32
        %dma_wait3A_22 = tpu.memref_slice %arg2[%add3A, %dma_wait3A] : memref<320000x128xf32, #tpu.memory_space<hbm>> -> memref<80x128xf32, #tpu.memory_space<hbm>>
        %dma_wait3A_23 = arith.constant 0 : i32
        %dma_wait3A_24 = tpu.memref_slice %arg2[%add3A, %dma_wait3A_23] : memref<320000x128xf32, #tpu.memory_space<hbm>> -> memref<80x128xf32, #tpu.memory_space<hbm>>
        tpu.wait_dma2 semaphore(%run_scoped3A : memref<!tpu.dma_semaphore, #tpu.memory_space<semaphore_mem>>) src(%dma_wait3A_24 : memref<80x128xf32, #tpu.memory_space<hbm>>) dst(%arg7 : memref<80x128xf32, #tpu.memory_space<vmem>>)
        tpu.yield
      }) : () -> ()
      "tpu.region"() ({
        %run_scoped3A = tpu.sem_alloc : memref<!tpu.dma_semaphore, #tpu.memory_space<semaphore_mem>>
        %dma_start3A = arith.constant 0 : i32
        %dma_start3A_19 = arith.constant 0 : i32
        %dma_start3A_20 = tpu.memref_slice %arg8[%dma_start3A, %dma_start3A_19] : memref<10000x128xf32, #tpu.memory_space<vmem_shared>> -> memref<10000x128xf32, #tpu.memory_space<vmem_shared>>
        tpu.enqueue_indirect_dma source(%arg7 : memref<80x128xf32, #tpu.memory_space<vmem>>) target(%dma_start3A_20 : memref<10000x128xf32, #tpu.memory_space<vmem_shared>>) offsets(%arg6 : memref<80xi32, #tpu.memory_space<vmem>>) semaphore(%run_scoped3A : memref<!tpu.dma_semaphore, #tpu.memory_space<semaphore_mem>>) {add = true}
        %dma_wait3A = arith.constant 0 : i32
        %dma_wait3A_21 = arith.constant 0 : i32
        %dma_wait3A_22 = tpu.memref_slice %arg8[%dma_wait3A, %dma_wait3A_21] : memref<10000x128xf32, #tpu.memory_space<vmem_shared>> -> memref<10000x128xf32, #tpu.memory_space<vmem_shared>>
        tpu.wait_indirect_dma semaphore(%run_scoped3A : memref<!tpu.dma_semaphore, #tpu.memory_space<semaphore_mem>>) src(%arg7 : memref<80x128xf32, #tpu.memory_space<vmem>>) dst(%dma_wait3A_22 : memref<10000x128xf32, #tpu.memory_space<vmem_shared>>)
        tpu.yield
      }) : () -> ()
    }
    %scan3A_9 = arith.constant 250 : i32
    %barrier3A_10 = arith.constant 0 : index
    tpu.barrier barrier_id(%barrier3A_10)
    "tpu.region"() ({
      %run_scoped3A = tpu.sem_alloc : memref<!tpu.dma_semaphore, #tpu.memory_space<semaphore_mem>>
      %dma_start3A = arith.constant 0 : i32
      %dma_start3A_16 = tpu.memref_slice %arg5[%mul3A_0, %dma_start3A] : memref<10000x128xf32, #tpu.memory_space<hbm>> -> memref<624x128xf32, #tpu.memory_space<hbm>>
      %dma_start3A_17 = arith.constant 0 : i32
      %dma_start3A_18 = tpu.memref_slice %arg8[%mul3A_0, %dma_start3A_17] : memref<10000x128xf32, #tpu.memory_space<vmem_shared>> -> memref<624x128xf32, #tpu.memory_space<vmem_shared>>
      tpu.enqueue_dma source(%dma_start3A_18 : memref<624x128xf32, #tpu.memory_space<vmem_shared>>) target(%dma_start3A_16 : memref<624x128xf32, #tpu.memory_space<hbm>>) target_semaphore(%run_scoped3A : memref<!tpu.dma_semaphore, #tpu.memory_space<semaphore_mem>>)
      %dma_wait3A = arith.constant 0 : i32
      %dma_wait3A_19 = tpu.memref_slice %arg5[%mul3A_0, %dma_wait3A] : memref<10000x128xf32, #tpu.memory_space<hbm>> -> memref<624x128xf32, #tpu.memory_space<hbm>>
      %dma_wait3A_20 = arith.constant 0 : i32
      %dma_wait3A_21 = tpu.memref_slice %arg8[%mul3A_0, %dma_wait3A_20] : memref<10000x128xf32, #tpu.memory_space<vmem_shared>> -> memref<624x128xf32, #tpu.memory_space<vmem_shared>>
      tpu.wait_dma2 semaphore(%run_scoped3A : memref<!tpu.dma_semaphore, #tpu.memory_space<semaphore_mem>>) src(%dma_wait3A_21 : memref<624x128xf32, #tpu.memory_space<vmem_shared>>) dst(%dma_wait3A_19 : memref<624x128xf32, #tpu.memory_space<hbm>>)
      tpu.yield
    }) : () -> ()
    %eq3A_11 = arith.constant 0 : i32
    %eq3A_12 = arith.cmpi eq, %arg1, %eq3A_11 : i32
    %convert_element_type3A_13 = arith.extui %eq3A_12 : i1 to i32
    %cond3A_14 = arith.constant 0 : i32
    %cond3A_15 = arith.cmpi ne, %convert_element_type3A_13, %cond3A_14 : i32
    scf.if %cond3A_15 {
      "tpu.region"() ({
        %run_scoped3A = tpu.sem_alloc : memref<!tpu.dma_semaphore, #tpu.memory_space<semaphore_mem>>
        %dma_start3A = arith.constant 9984 : i32
        %dma_start3A_16 = arith.constant 0 : i32
        %dma_start3A_17 = tpu.memref_slice %arg5[%dma_start3A, %dma_start3A_16] : memref<10000x128xf32, #tpu.memory_space<hbm>> -> memref<16x128xf32, #tpu.memory_space<hbm>>
        %dma_start3A_18 = arith.constant 9984 : i32
        %dma_start3A_19 = arith.constant 0 : i32
        %dma_start3A_20 = tpu.memref_slice %arg8[%dma_start3A_18, %dma_start3A_19] : memref<10000x128xf32, #tpu.memory_space<vmem_shared>> -> memref<16x128xf32, #tpu.memory_space<vmem_shared>>
        tpu.enqueue_dma source(%dma_start3A_20 : memref<16x128xf32, #tpu.memory_space<vmem_shared>>) target(%dma_start3A_17 : memref<16x128xf32, #tpu.memory_space<hbm>>) target_semaphore(%run_scoped3A : memref<!tpu.dma_semaphore, #tpu.memory_space<semaphore_mem>>)
        %dma_wait3A = arith.constant 9984 : i32
        %dma_wait3A_21 = arith.constant 0 : i32
        %dma_wait3A_22 = tpu.memref_slice %arg5[%dma_wait3A, %dma_wait3A_21] : memref<10000x128xf32, #tpu.memory_space<hbm>> -> memref<16x128xf32, #tpu.memory_space<hbm>>
        %dma_wait3A_23 = arith.constant 9984 : i32
        %dma_wait3A_24 = arith.constant 0 : i32
        %dma_wait3A_25 = tpu.memref_slice %arg8[%dma_wait3A_23, %dma_wait3A_24] : memref<10000x128xf32, #tpu.memory_space<vmem_shared>> -> memref<16x128xf32, #tpu.memory_space<vmem_shared>>
        tpu.wait_dma2 semaphore(%run_scoped3A : memref<!tpu.dma_semaphore, #tpu.memory_space<semaphore_mem>>) src(%dma_wait3A_25 : memref<16x128xf32, #tpu.memory_space<vmem_shared>>) dst(%dma_wait3A_22 : memref<16x128xf32, #tpu.memory_space<hbm>>)
        tpu.yield
      }) : () -> ()
    } else {
    }
    return
  }
}

#map = affine_map<(d0, d1) -> (0, 0)>
#map1 = affine_map<(d0, d1) -> (0)>
module attributes {stable_mosaic.version = 14 : i64} {
  func.func @sc_gather(%arg0: i32, %arg1: i32, %arg2: memref<10000x256xf32, #tpu.memory_space<hbm>>, %arg3: memref<10000x384xf32, #tpu.memory_space<hbm>>, %arg4: memref<320000xi32, #tpu.memory_space<hbm>>, %arg5: memref<320000xi32, #tpu.memory_space<hbm>>, %arg6: memref<320000x256xf32, #tpu.memory_space<hbm>>, %arg7: memref<320000x384xf32, #tpu.memory_space<hbm>>, %arg8: memref<80xi32, #tpu.memory_space<vmem>>, %arg9: memref<80x256xf32, #tpu.memory_space<vmem>>, %arg10: memref<80x384xf32, #tpu.memory_space<vmem>>, %arg11: memref<!tpu.dma_semaphore, #tpu.memory_space<semaphore_mem>>) attributes {dimension_semantics = [#tpu.dimension_semantics<core_parallel>, #tpu.dimension_semantics<subcore_parallel>], iteration_bounds = array<i64: 1, 16>, scalar_prefetch = 0 : i64, scratch_operands = 4 : i64, tpu.core_type = #tpu.core_type<sc_vector_subcore>, window_params = [{transform_indices = #map}, {transform_indices = #map}, {transform_indices = #map1}, {transform_indices = #map1}, {transform_indices = #map}, {transform_indices = #map}]} {
    %mul3A = arith.constant 20000 : i32
    %mul3A_0 = arith.muli %arg1, %mul3A : i32
    %scan3A = arith.constant 0 : i32
    %scan3A_1 = arith.constant 0 : i32
    %scan3A_2 = arith.constant 250 : i32
    %scan3A_3 = arith.addi %scan3A_1, %scan3A_2 : i32
    %scan3A_4 = arith.constant 1 : i32
    scf.for %scan3A_6 = %scan3A_1 to %scan3A_3 step %scan3A_4  : i32 {
      %mul3A_7 = arith.constant 80 : i32
      %mul3A_8 = arith.muli %scan3A_6, %mul3A_7 : i32
      %add3A = arith.addi %mul3A_0, %mul3A_8 : i32
      "tpu.region"() ({
        %run_scoped3A = tpu.sem_alloc : memref<!tpu.dma_semaphore, #tpu.memory_space<semaphore_mem>>
        %dma_start3A_19 = tpu.memref_slice %arg4[%add3A] : memref<320000xi32, #tpu.memory_space<hbm>> -> memref<80xi32, #tpu.memory_space<hbm>>
        %dma_start3A_20 = tpu.memref_slice %arg4[%add3A] : memref<320000xi32, #tpu.memory_space<hbm>> -> memref<80xi32, #tpu.memory_space<hbm>>
        tpu.enqueue_dma source(%dma_start3A_20 : memref<80xi32, #tpu.memory_space<hbm>>) target(%arg8 : memref<80xi32, #tpu.memory_space<vmem>>) target_semaphore(%run_scoped3A : memref<!tpu.dma_semaphore, #tpu.memory_space<semaphore_mem>>)
        %dma_wait3A_21 = tpu.memref_slice %arg4[%add3A] : memref<320000xi32, #tpu.memory_space<hbm>> -> memref<80xi32, #tpu.memory_space<hbm>>
        %dma_wait3A_22 = tpu.memref_slice %arg4[%add3A] : memref<320000xi32, #tpu.memory_space<hbm>> -> memref<80xi32, #tpu.memory_space<hbm>>
        tpu.wait_dma2 semaphore(%run_scoped3A : memref<!tpu.dma_semaphore, #tpu.memory_space<semaphore_mem>>) src(%dma_wait3A_22 : memref<80xi32, #tpu.memory_space<hbm>>) dst(%arg8 : memref<80xi32, #tpu.memory_space<vmem>>)
        tpu.yield
      }) : () -> ()
      %dma_start3A = arith.constant 0 : i32
      %dma_start3A_9 = arith.constant 0 : i32
      %dma_start3A_10 = tpu.memref_slice %arg2[%dma_start3A, %dma_start3A_9] : memref<10000x256xf32, #tpu.memory_space<hbm>> -> memref<10000x256xf32, #tpu.memory_space<hbm>>
      tpu.enqueue_indirect_dma source(%dma_start3A_10 : memref<10000x256xf32, #tpu.memory_space<hbm>>) target(%arg9 : memref<80x256xf32, #tpu.memory_space<vmem>>) offsets(%arg8 : memref<80xi32, #tpu.memory_space<vmem>>) semaphore(%arg11 : memref<!tpu.dma_semaphore, #tpu.memory_space<semaphore_mem>>)
      %dma_wait3A = arith.constant 0 : i32
      %dma_wait3A_11 = arith.constant 0 : i32
      %dma_wait3A_12 = tpu.memref_slice %arg2[%dma_wait3A, %dma_wait3A_11] : memref<10000x256xf32, #tpu.memory_space<hbm>> -> memref<10000x256xf32, #tpu.memory_space<hbm>>
      tpu.wait_indirect_dma semaphore(%arg11 : memref<!tpu.dma_semaphore, #tpu.memory_space<semaphore_mem>>) src(%dma_wait3A_12 : memref<10000x256xf32, #tpu.memory_space<hbm>>) dst(%arg9 : memref<80x256xf32, #tpu.memory_space<vmem>>)
      "tpu.region"() ({
        %run_scoped3A = tpu.sem_alloc : memref<!tpu.dma_semaphore, #tpu.memory_space<semaphore_mem>>
        %dma_start3A_19 = arith.constant 0 : i32
        %dma_start3A_20 = tpu.memref_slice %arg6[%add3A, %dma_start3A_19] : memref<320000x256xf32, #tpu.memory_space<hbm>> -> memref<80x256xf32, #tpu.memory_space<hbm>>
        %dma_start3A_21 = arith.constant 0 : i32
        %dma_start3A_22 = tpu.memref_slice %arg6[%add3A, %dma_start3A_21] : memref<320000x256xf32, #tpu.memory_space<hbm>> -> memref<80x256xf32, #tpu.memory_space<hbm>>
        tpu.enqueue_dma source(%arg9 : memref<80x256xf32, #tpu.memory_space<vmem>>) target(%dma_start3A_22 : memref<80x256xf32, #tpu.memory_space<hbm>>) target_semaphore(%run_scoped3A : memref<!tpu.dma_semaphore, #tpu.memory_space<semaphore_mem>>)
        %dma_wait3A_23 = arith.constant 0 : i32
        %dma_wait3A_24 = tpu.memref_slice %arg6[%add3A, %dma_wait3A_23] : memref<320000x256xf32, #tpu.memory_space<hbm>> -> memref<80x256xf32, #tpu.memory_space<hbm>>
        %dma_wait3A_25 = arith.constant 0 : i32
        %dma_wait3A_26 = tpu.memref_slice %arg6[%add3A, %dma_wait3A_25] : memref<320000x256xf32, #tpu.memory_space<hbm>> -> memref<80x256xf32, #tpu.memory_space<hbm>>
        tpu.wait_dma2 semaphore(%run_scoped3A : memref<!tpu.dma_semaphore, #tpu.memory_space<semaphore_mem>>) src(%arg9 : memref<80x256xf32, #tpu.memory_space<vmem>>) dst(%dma_wait3A_26 : memref<80x256xf32, #tpu.memory_space<hbm>>)
        tpu.yield
      }) : () -> ()
      "tpu.region"() ({
        %run_scoped3A = tpu.sem_alloc : memref<!tpu.dma_semaphore, #tpu.memory_space<semaphore_mem>>
        %dma_start3A_19 = tpu.memref_slice %arg5[%add3A] : memref<320000xi32, #tpu.memory_space<hbm>> -> memref<80xi32, #tpu.memory_space<hbm>>
        %dma_start3A_20 = tpu.memref_slice %arg5[%add3A] : memref<320000xi32, #tpu.memory_space<hbm>> -> memref<80xi32, #tpu.memory_space<hbm>>
        tpu.enqueue_dma source(%dma_start3A_20 : memref<80xi32, #tpu.memory_space<hbm>>) target(%arg8 : memref<80xi32, #tpu.memory_space<vmem>>) target_semaphore(%run_scoped3A : memref<!tpu.dma_semaphore, #tpu.memory_space<semaphore_mem>>)
        %dma_wait3A_21 = tpu.memref_slice %arg5[%add3A] : memref<320000xi32, #tpu.memory_space<hbm>> -> memref<80xi32, #tpu.memory_space<hbm>>
        %dma_wait3A_22 = tpu.memref_slice %arg5[%add3A] : memref<320000xi32, #tpu.memory_space<hbm>> -> memref<80xi32, #tpu.memory_space<hbm>>
        tpu.wait_dma2 semaphore(%run_scoped3A : memref<!tpu.dma_semaphore, #tpu.memory_space<semaphore_mem>>) src(%dma_wait3A_22 : memref<80xi32, #tpu.memory_space<hbm>>) dst(%arg8 : memref<80xi32, #tpu.memory_space<vmem>>)
        tpu.yield
      }) : () -> ()
      %dma_start3A_13 = arith.constant 0 : i32
      %dma_start3A_14 = arith.constant 0 : i32
      %dma_start3A_15 = tpu.memref_slice %arg3[%dma_start3A_13, %dma_start3A_14] : memref<10000x384xf32, #tpu.memory_space<hbm>> -> memref<10000x384xf32, #tpu.memory_space<hbm>>
      tpu.enqueue_indirect_dma source(%dma_start3A_15 : memref<10000x384xf32, #tpu.memory_space<hbm>>) target(%arg10 : memref<80x384xf32, #tpu.memory_space<vmem>>) offsets(%arg8 : memref<80xi32, #tpu.memory_space<vmem>>) semaphore(%arg11 : memref<!tpu.dma_semaphore, #tpu.memory_space<semaphore_mem>>)
      %dma_wait3A_16 = arith.constant 0 : i32
      %dma_wait3A_17 = arith.constant 0 : i32
      %dma_wait3A_18 = tpu.memref_slice %arg3[%dma_wait3A_16, %dma_wait3A_17] : memref<10000x384xf32, #tpu.memory_space<hbm>> -> memref<10000x384xf32, #tpu.memory_space<hbm>>
      tpu.wait_indirect_dma semaphore(%arg11 : memref<!tpu.dma_semaphore, #tpu.memory_space<semaphore_mem>>) src(%dma_wait3A_18 : memref<10000x384xf32, #tpu.memory_space<hbm>>) dst(%arg10 : memref<80x384xf32, #tpu.memory_space<vmem>>)
      "tpu.region"() ({
        %run_scoped3A = tpu.sem_alloc : memref<!tpu.dma_semaphore, #tpu.memory_space<semaphore_mem>>
        %dma_start3A_19 = arith.constant 0 : i32
        %dma_start3A_20 = tpu.memref_slice %arg7[%add3A, %dma_start3A_19] : memref<320000x384xf32, #tpu.memory_space<hbm>> -> memref<80x384xf32, #tpu.memory_space<hbm>>
        %dma_start3A_21 = arith.constant 0 : i32
        %dma_start3A_22 = tpu.memref_slice %arg7[%add3A, %dma_start3A_21] : memref<320000x384xf32, #tpu.memory_space<hbm>> -> memref<80x384xf32, #tpu.memory_space<hbm>>
        tpu.enqueue_dma source(%arg10 : memref<80x384xf32, #tpu.memory_space<vmem>>) target(%dma_start3A_22 : memref<80x384xf32, #tpu.memory_space<hbm>>) target_semaphore(%run_scoped3A : memref<!tpu.dma_semaphore, #tpu.memory_space<semaphore_mem>>)
        %dma_wait3A_23 = arith.constant 0 : i32
        %dma_wait3A_24 = tpu.memref_slice %arg7[%add3A, %dma_wait3A_23] : memref<320000x384xf32, #tpu.memory_space<hbm>> -> memref<80x384xf32, #tpu.memory_space<hbm>>
        %dma_wait3A_25 = arith.constant 0 : i32
        %dma_wait3A_26 = tpu.memref_slice %arg7[%add3A, %dma_wait3A_25] : memref<320000x384xf32, #tpu.memory_space<hbm>> -> memref<80x384xf32, #tpu.memory_space<hbm>>
        tpu.wait_dma2 semaphore(%run_scoped3A : memref<!tpu.dma_semaphore, #tpu.memory_space<semaphore_mem>>) src(%arg10 : memref<80x384xf32, #tpu.memory_space<vmem>>) dst(%dma_wait3A_26 : memref<80x384xf32, #tpu.memory_space<hbm>>)
        tpu.yield
      }) : () -> ()
    }
    %scan3A_5 = arith.constant 250 : i32
    return
  }
}

#map = affine_map<(d0, d1) -> (0, 0)>
#map1 = affine_map<(d0, d1) -> (0)>
module attributes {stable_mosaic.version = 14 : i64} {
  func.func @sc_scatter(%arg0: i32, %arg1: i32, %arg2: memref<320000x128xf32, #tpu.memory_space<hbm>>, %arg3: memref<320000xi32, #tpu.memory_space<hbm>>, %arg4: memref<10000x128xf32, #tpu.memory_space<hbm>>, %arg5: memref<10000x128xf32, #tpu.memory_space<hbm>>, %arg6: memref<80xi32, #tpu.memory_space<vmem>>, %arg7: memref<80x128xf32, #tpu.memory_space<vmem>>, %arg8: memref<10000x128xf32, #tpu.memory_space<vmem_shared>>) attributes {dimension_semantics = [#tpu.dimension_semantics<core_parallel>, #tpu.dimension_semantics<subcore_parallel>], iteration_bounds = array<i64: 1, 16>, scalar_prefetch = 0 : i64, scratch_operands = 3 : i64, tpu.core_type = #tpu.core_type<sc_vector_subcore>, window_params = [{transform_indices = #map}, {transform_indices = #map1}, {transform_indices = #map}, {transform_indices = #map}]} {
    %mul3A = arith.constant 624 : i32
    %mul3A_0 = arith.muli %arg1, %mul3A : i32
    "tpu.region"() ({
      %run_scoped3A = tpu.sem_alloc : memref<!tpu.dma_semaphore, #tpu.memory_space<semaphore_mem>>
      %dma_start3A = arith.constant 0 : i32
      %dma_start3A_16 = tpu.memref_slice %arg8[%mul3A_0, %dma_start3A] : memref<10000x128xf32, #tpu.memory_space<vmem_shared>> -> memref<624x128xf32, #tpu.memory_space<vmem_shared>>
      %dma_start3A_17 = arith.constant 0 : i32
      %dma_start3A_18 = tpu.memref_slice %arg4[%mul3A_0, %dma_start3A_17] : memref<10000x128xf32, #tpu.memory_space<hbm>> -> memref<624x128xf32, #tpu.memory_space<hbm>>
      tpu.enqueue_dma source(%dma_start3A_18 : memref<624x128xf32, #tpu.memory_space<hbm>>) target(%dma_start3A_16 : memref<624x128xf32, #tpu.memory_space<vmem_shared>>) target_semaphore(%run_scoped3A : memref<!tpu.dma_semaphore, #tpu.memory_space<semaphore_mem>>)
      %dma_wait3A = arith.constant 0 : i32
      %dma_wait3A_19 = tpu.memref_slice %arg8[%mul3A_0, %dma_wait3A] : memref<10000x128xf32, #tpu.memory_space<vmem_shared>> -> memref<624x128xf32, #tpu.memory_space<vmem_shared>>
      %dma_wait3A_20 = arith.constant 0 : i32
      %dma_wait3A_21 = tpu.memref_slice %arg4[%mul3A_0, %dma_wait3A_20] : memref<10000x128xf32, #tpu.memory_space<hbm>> -> memref<624x128xf32, #tpu.memory_space<hbm>>
      tpu.wait_dma2 semaphore(%run_scoped3A : memref<!tpu.dma_semaphore, #tpu.memory_space<semaphore_mem>>) src(%dma_wait3A_21 : memref<624x128xf32, #tpu.memory_space<hbm>>) dst(%dma_wait3A_19 : memref<624x128xf32, #tpu.memory_space<vmem_shared>>)
      tpu.yield
    }) : () -> ()
    %eq3A = arith.constant 0 : i32
    %eq3A_1 = arith.cmpi eq, %arg1, %eq3A : i32
    %convert_element_type3A = arith.extui %eq3A_1 : i1 to i32
    %cond3A = arith.constant 0 : i32
    %cond3A_2 = arith.cmpi ne, %convert_element_type3A, %cond3A : i32
    scf.if %cond3A_2 {
      "tpu.region"() ({
        %run_scoped3A = tpu.sem_alloc : memref<!tpu.dma_semaphore, #tpu.memory_space<semaphore_mem>>
        %dma_start3A = arith.constant 9984 : i32
        %dma_start3A_16 = arith.constant 0 : i32
        %dma_start3A_17 = tpu.memref_slice %arg8[%dma_start3A, %dma_start3A_16] : memref<10000x128xf32, #tpu.memory_space<vmem_shared>> -> memref<16x128xf32, #tpu.memory_space<vmem_shared>>
        %dma_start3A_18 = arith.constant 9984 : i32
        %dma_start3A_19 = arith.constant 0 : i32
        %dma_start3A_20 = tpu.memref_slice %arg4[%dma_start3A_18, %dma_start3A_19] : memref<10000x128xf32, #tpu.memory_space<hbm>> -> memref<16x128xf32, #tpu.memory_space<hbm>>
        tpu.enqueue_dma source(%dma_start3A_20 : memref<16x128xf32, #tpu.memory_space<hbm>>) target(%dma_start3A_17 : memref<16x128xf32, #tpu.memory_space<vmem_shared>>) target_semaphore(%run_scoped3A : memref<!tpu.dma_semaphore, #tpu.memory_space<semaphore_mem>>)
        %dma_wait3A = arith.constant 9984 : i32
        %dma_wait3A_21 = arith.constant 0 : i32
        %dma_wait3A_22 = tpu.memref_slice %arg8[%dma_wait3A, %dma_wait3A_21] : memref<10000x128xf32, #tpu.memory_space<vmem_shared>> -> memref<16x128xf32, #tpu.memory_space<vmem_shared>>
        %dma_wait3A_23 = arith.constant 9984 : i32
        %dma_wait3A_24 = arith.constant 0 : i32
        %dma_wait3A_25 = tpu.memref_slice %arg4[%dma_wait3A_23, %dma_wait3A_24] : memref<10000x128xf32, #tpu.memory_space<hbm>> -> memref<16x128xf32, #tpu.memory_space<hbm>>
        tpu.wait_dma2 semaphore(%run_scoped3A : memref<!tpu.dma_semaphore, #tpu.memory_space<semaphore_mem>>) src(%dma_wait3A_25 : memref<16x128xf32, #tpu.memory_space<hbm>>) dst(%dma_wait3A_22 : memref<16x128xf32, #tpu.memory_space<vmem_shared>>)
        tpu.yield
      }) : () -> ()
    } else {
    }
    %barrier3A = arith.constant 0 : index
    tpu.barrier barrier_id(%barrier3A)
    %mul3A_3 = arith.constant 20000 : i32
    %mul3A_4 = arith.muli %arg1, %mul3A_3 : i32
    %scan3A = arith.constant 0 : i32
    %scan3A_5 = arith.constant 0 : i32
    %scan3A_6 = arith.constant 250 : i32
    %scan3A_7 = arith.addi %scan3A_5, %scan3A_6 : i32
    %scan3A_8 = arith.constant 1 : i32
    scf.for %scan3A_16 = %scan3A_5 to %scan3A_7 step %scan3A_8  : i32 {
      %mul3A_17 = arith.constant 80 : i32
      %mul3A_18 = arith.muli %scan3A_16, %mul3A_17 : i32
      %add3A = arith.addi %mul3A_4, %mul3A_18 : i32
      "tpu.region"() ({
        %run_scoped3A = tpu.sem_alloc : memref<!tpu.dma_semaphore, #tpu.memory_space<semaphore_mem>>
        %dma_start3A = tpu.memref_slice %arg3[%add3A] : memref<320000xi32, #tpu.memory_space<hbm>> -> memref<80xi32, #tpu.memory_space<hbm>>
        %dma_start3A_19 = tpu.memref_slice %arg3[%add3A] : memref<320000xi32, #tpu.memory_space<hbm>> -> memref<80xi32, #tpu.memory_space<hbm>>
        tpu.enqueue_dma source(%dma_start3A_19 : memref<80xi32, #tpu.memory_space<hbm>>) target(%arg6 : memref<80xi32, #tpu.memory_space<vmem>>) target_semaphore(%run_scoped3A : memref<!tpu.dma_semaphore, #tpu.memory_space<semaphore_mem>>)
        %dma_wait3A = tpu.memref_slice %arg3[%add3A] : memref<320000xi32, #tpu.memory_space<hbm>> -> memref<80xi32, #tpu.memory_space<hbm>>
        %dma_wait3A_20 = tpu.memref_slice %arg3[%add3A] : memref<320000xi32, #tpu.memory_space<hbm>> -> memref<80xi32, #tpu.memory_space<hbm>>
        tpu.wait_dma2 semaphore(%run_scoped3A : memref<!tpu.dma_semaphore, #tpu.memory_space<semaphore_mem>>) src(%dma_wait3A_20 : memref<80xi32, #tpu.memory_space<hbm>>) dst(%arg6 : memref<80xi32, #tpu.memory_space<vmem>>)
        tpu.yield
      }) : () -> ()
      "tpu.region"() ({
        %run_scoped3A = tpu.sem_alloc : memref<!tpu.dma_semaphore, #tpu.memory_space<semaphore_mem>>
        %dma_start3A = arith.constant 0 : i32
        %dma_start3A_19 = tpu.memref_slice %arg2[%add3A, %dma_start3A] : memref<320000x128xf32, #tpu.memory_space<hbm>> -> memref<80x128xf32, #tpu.memory_space<hbm>>
        %dma_start3A_20 = arith.constant 0 : i32
        %dma_start3A_21 = tpu.memref_slice %arg2[%add3A, %dma_start3A_20] : memref<320000x128xf32, #tpu.memory_space<hbm>> -> memref<80x128xf32, #tpu.memory_space<hbm>>
        tpu.enqueue_dma source(%dma_start3A_21 : memref<80x128xf32, #tpu.memory_space<hbm>>) target(%arg7 : memref<80x128xf32, #tpu.memory_space<vmem>>) target_semaphore(%run_scoped3A : memref<!tpu.dma_semaphore, #tpu.memory_space<semaphore_mem>>)
        %dma_wait3A = arith.constant 0 : i32
        %dma_wait3A_22 = tpu.memref_slice %arg2[%add3A, %dma_wait3A] : memref<320000x128xf32, #tpu.memory_space<hbm>> -> memref<80x128xf32, #tpu.memory_space<hbm>>
        %dma_wait3A_23 = arith.constant 0 : i32
        %dma_wait3A_24 = tpu.memref_slice %arg2[%add3A, %dma_wait3A_23] : memref<320000x128xf32, #tpu.memory_space<hbm>> -> memref<80x128xf32, #tpu.memory_space<hbm>>
        tpu.wait_dma2 semaphore(%run_scoped3A : memref<!tpu.dma_semaphore, #tpu.memory_space<semaphore_mem>>) src(%dma_wait3A_24 : memref<80x128xf32, #tpu.memory_space<hbm>>) dst(%arg7 : memref<80x128xf32, #tpu.memory_space<vmem>>)
        tpu.yield
      }) : () -> ()
      "tpu.region"() ({
        %run_scoped3A = tpu.sem_alloc : memref<!tpu.dma_semaphore, #tpu.memory_space<semaphore_mem>>
        %dma_start3A = arith.constant 0 : i32
        %dma_start3A_19 = arith.constant 0 : i32
        %dma_start3A_20 = tpu.memref_slice %arg8[%dma_start3A, %dma_start3A_19] : memref<10000x128xf32, #tpu.memory_space<vmem_shared>> -> memref<10000x128xf32, #tpu.memory_space<vmem_shared>>
        tpu.enqueue_indirect_dma source(%arg7 : memref<80x128xf32, #tpu.memory_space<vmem>>) target(%dma_start3A_20 : memref<10000x128xf32, #tpu.memory_space<vmem_shared>>) offsets(%arg6 : memref<80xi32, #tpu.memory_space<vmem>>) semaphore(%run_scoped3A : memref<!tpu.dma_semaphore, #tpu.memory_space<semaphore_mem>>) {add = true}
        %dma_wait3A = arith.constant 0 : i32
        %dma_wait3A_21 = arith.constant 0 : i32
        %dma_wait3A_22 = tpu.memref_slice %arg8[%dma_wait3A, %dma_wait3A_21] : memref<10000x128xf32, #tpu.memory_space<vmem_shared>> -> memref<10000x128xf32, #tpu.memory_space<vmem_shared>>
        tpu.wait_indirect_dma semaphore(%run_scoped3A : memref<!tpu.dma_semaphore, #tpu.memory_space<semaphore_mem>>) src(%arg7 : memref<80x128xf32, #tpu.memory_space<vmem>>) dst(%dma_wait3A_22 : memref<10000x128xf32, #tpu.memory_space<vmem_shared>>)
        tpu.yield
      }) : () -> ()
    }
    %scan3A_9 = arith.constant 250 : i32
    %barrier3A_10 = arith.constant 0 : index
    tpu.barrier barrier_id(%barrier3A_10)
    "tpu.region"() ({
      %run_scoped3A = tpu.sem_alloc : memref<!tpu.dma_semaphore, #tpu.memory_space<semaphore_mem>>
      %dma_start3A = arith.constant 0 : i32
      %dma_start3A_16 = tpu.memref_slice %arg5[%mul3A_0, %dma_start3A] : memref<10000x128xf32, #tpu.memory_space<hbm>> -> memref<624x128xf32, #tpu.memory_space<hbm>>
      %dma_start3A_17 = arith.constant 0 : i32
      %dma_start3A_18 = tpu.memref_slice %arg8[%mul3A_0, %dma_start3A_17] : memref<10000x128xf32, #tpu.memory_space<vmem_shared>> -> memref<624x128xf32, #tpu.memory_space<vmem_shared>>
      tpu.enqueue_dma source(%dma_start3A_18 : memref<624x128xf32, #tpu.memory_space<vmem_shared>>) target(%dma_start3A_16 : memref<624x128xf32, #tpu.memory_space<hbm>>) target_semaphore(%run_scoped3A : memref<!tpu.dma_semaphore, #tpu.memory_space<semaphore_mem>>)
      %dma_wait3A = arith.constant 0 : i32
      %dma_wait3A_19 = tpu.memref_slice %arg5[%mul3A_0, %dma_wait3A] : memref<10000x128xf32, #tpu.memory_space<hbm>> -> memref<624x128xf32, #tpu.memory_space<hbm>>
      %dma_wait3A_20 = arith.constant 0 : i32
      %dma_wait3A_21 = tpu.memref_slice %arg8[%mul3A_0, %dma_wait3A_20] : memref<10000x128xf32, #tpu.memory_space<vmem_shared>> -> memref<624x128xf32, #tpu.memory_space<vmem_shared>>
      tpu.wait_dma2 semaphore(%run_scoped3A : memref<!tpu.dma_semaphore, #tpu.memory_space<semaphore_mem>>) src(%dma_wait3A_21 : memref<624x128xf32, #tpu.memory_space<vmem_shared>>) dst(%dma_wait3A_19 : memref<624x128xf32, #tpu.memory_space<hbm>>)
      tpu.yield
    }) : () -> ()
    %eq3A_11 = arith.constant 0 : i32
    %eq3A_12 = arith.cmpi eq, %arg1, %eq3A_11 : i32
    %convert_element_type3A_13 = arith.extui %eq3A_12 : i1 to i32
    %cond3A_14 = arith.constant 0 : i32
    %cond3A_15 = arith.cmpi ne, %convert_element_type3A_13, %cond3A_14 : i32
    scf.if %cond3A_15 {
      "tpu.region"() ({
        %run_scoped3A = tpu.sem_alloc : memref<!tpu.dma_semaphore, #tpu.memory_space<semaphore_mem>>
        %dma_start3A = arith.constant 9984 : i32
        %dma_start3A_16 = arith.constant 0 : i32
        %dma_start3A_17 = tpu.memref_slice %arg5[%dma_start3A, %dma_start3A_16] : memref<10000x128xf32, #tpu.memory_space<hbm>> -> memref<16x128xf32, #tpu.memory_space<hbm>>
        %dma_start3A_18 = arith.constant 9984 : i32
        %dma_start3A_19 = arith.constant 0 : i32
        %dma_start3A_20 = tpu.memref_slice %arg8[%dma_start3A_18, %dma_start3A_19] : memref<10000x128xf32, #tpu.memory_space<vmem_shared>> -> memref<16x128xf32, #tpu.memory_space<vmem_shared>>
        tpu.enqueue_dma source(%dma_start3A_20 : memref<16x128xf32, #tpu.memory_space<vmem_shared>>) target(%dma_start3A_17 : memref<16x128xf32, #tpu.memory_space<hbm>>) target_semaphore(%run_scoped3A : memref<!tpu.dma_semaphore, #tpu.memory_space<semaphore_mem>>)
        %dma_wait3A = arith.constant 9984 : i32
        %dma_wait3A_21 = arith.constant 0 : i32
        %dma_wait3A_22 = tpu.memref_slice %arg5[%dma_wait3A, %dma_wait3A_21] : memref<10000x128xf32, #tpu.memory_space<hbm>> -> memref<16x128xf32, #tpu.memory_space<hbm>>
        %dma_wait3A_23 = arith.constant 9984 : i32
        %dma_wait3A_24 = arith.constant 0 : i32
        %dma_wait3A_25 = tpu.memref_slice %arg8[%dma_wait3A_23, %dma_wait3A_24] : memref<10000x128xf32, #tpu.memory_space<vmem_shared>> -> memref<16x128xf32, #tpu.memory_space<vmem_shared>>
        tpu.wait_dma2 semaphore(%run_scoped3A : memref<!tpu.dma_semaphore, #tpu.memory_space<semaphore_mem>>) src(%dma_wait3A_25 : memref<16x128xf32, #tpu.memory_space<vmem_shared>>) dst(%dma_wait3A_22 : memref<16x128xf32, #tpu.memory_space<hbm>>)
        tpu.yield
      }) : () -> ()
    } else {
    }
    return
  }
}

module attributes {stable_mosaic.version = 14 : i64} {
  func.func @_k1_body(%arg0: i32, %arg1: memref<400x128xf32, #tpu.memory_space<vmem>>, %arg2: memref<128x128xf32, #tpu.memory_space<vmem>>, %arg3: memref<128x128xf32, #tpu.memory_space<vmem>>, %arg4: memref<128x128xf32, #tpu.memory_space<vmem>>, %arg5: memref<1x1xf32, #tpu.memory_space<vmem>>, %arg6: memref<1x1xf32, #tpu.memory_space<vmem>>, %arg7: memref<400x256xf32, #tpu.memory_space<vmem>>, %arg8: memref<400x384xf32, #tpu.memory_space<vmem>>) attributes {dimension_semantics = [#tpu.dimension_semantics<arbitrary>], iteration_bounds = array<i64: 25>, scalar_prefetch = 0 : i64, scratch_operands = 0 : i64, tpu.core_type = #tpu.core_type<tc>, window_params = [{transform_indices = @transform_0, window_bounds = array<i64: 400, 128>}, {pipeline_mode = #tpu.pipeline_mode<synchronous>, transform_indices = @transform_1, window_bounds = array<i64: 128, 128>}, {pipeline_mode = #tpu.pipeline_mode<synchronous>, transform_indices = @transform_2, window_bounds = array<i64: 128, 128>}, {pipeline_mode = #tpu.pipeline_mode<synchronous>, transform_indices = @transform_3, window_bounds = array<i64: 128, 128>}, {pipeline_mode = #tpu.pipeline_mode<synchronous>, transform_indices = @transform_4, window_bounds = array<i64: 1, 1>}, {pipeline_mode = #tpu.pipeline_mode<synchronous>, transform_indices = @transform_5, window_bounds = array<i64: 1, 1>}, {transform_indices = @transform_6, window_bounds = array<i64: 400, 256>}, {transform_indices = @transform_7, window_bounds = array<i64: 400, 384>}]} {
    %get3A = arith.constant 0 : index
    %get3A_0 = arith.constant 0 : index
    %get3A_1 = vector.load %arg1[%get3A, %get3A_0] : memref<400x128xf32, #tpu.memory_space<vmem>>, vector<400x128xf32>
    %get3A_2 = arith.constant 0 : index
    %get3A_3 = arith.constant 0 : index
    %get3A_4 = vector.load %arg2[%get3A_2, %get3A_3] : memref<128x128xf32, #tpu.memory_space<vmem>>, vector<128x128xf32>
    %dot_general3A = arith.constant dense<0.000000e+00> : vector<400x128xf32>
    %dot_general3A_5 = tpu.matmul %get3A_1, %get3A_4, %dot_general3A {dimension_numbers = #tpu.dot_dimension_numbers<[1], [1], [0], [0], [0, 0, 1, 0], [], []>, transpose_lhs_hint = false} : vector<400x128xf32>, vector<128x128xf32>, vector<400x128xf32> -> vector<400x128xf32>
    %get3A_6 = arith.constant 0 : index
    %get3A_7 = arith.constant 0 : index
    %get3A_8 = vector.load %arg3[%get3A_6, %get3A_7] : memref<128x128xf32, #tpu.memory_space<vmem>>, vector<128x128xf32>
    %dot_general3A_9 = arith.constant dense<0.000000e+00> : vector<400x128xf32>
    %dot_general3A_10 = tpu.matmul %get3A_1, %get3A_8, %dot_general3A_9 {dimension_numbers = #tpu.dot_dimension_numbers<[1], [1], [0], [0], [0, 0, 1, 0], [], []>, transpose_lhs_hint = false} : vector<400x128xf32>, vector<128x128xf32>, vector<400x128xf32> -> vector<400x128xf32>
    %get3A_11 = arith.constant 0 : index
    %get3A_12 = arith.constant 0 : index
    %get3A_13 = vector.load %arg4[%get3A_11, %get3A_12] : memref<128x128xf32, #tpu.memory_space<vmem>>, vector<128x128xf32>
    %dot_general3A_14 = arith.constant dense<0.000000e+00> : vector<400x128xf32>
    %dot_general3A_15 = tpu.matmul %get3A_1, %get3A_13, %dot_general3A_14 {dimension_numbers = #tpu.dot_dimension_numbers<[1], [1], [0], [0], [0, 0, 1, 0], [], []>, transpose_lhs_hint = false} : vector<400x128xf32>, vector<128x128xf32>, vector<400x128xf32> -> vector<400x128xf32>
    %get3A_16 = arith.constant 0 : index
    %get3A_17 = arith.constant 0 : index
    %get3A_18 = vector.load %arg5[%get3A_16, %get3A_17] : memref<1x1xf32, #tpu.memory_space<vmem>>, vector<1x1xf32>
    %get3A_19 = arith.constant 0 : index
    %get3A_20 = arith.constant 0 : index
    %get3A_21 = vector.load %arg6[%get3A_19, %get3A_20] : memref<1x1xf32, #tpu.memory_space<vmem>>, vector<1x1xf32>
    %mul3A = arith.mulf %get3A_1, %get3A_1 : vector<400x128xf32>
    %reduce_sum3A = arith.constant dense<0.000000e+00> : vector<400xf32>
    %reduce_sum3A_22 = vector.multi_reduction <add>, %mul3A, %reduce_sum3A [1] : vector<400x128xf32> to vector<400xf32>
    %broadcast_in_dim3A = vector.shape_cast %reduce_sum3A_22 : vector<400xf32> to vector<400x1xf32>
    %sqrt3A = math.sqrt %broadcast_in_dim3A : vector<400x1xf32>
    %max3A = arith.constant 1.000000e-15 : f32
    %max3A_23 = vector.broadcast %max3A : f32 to vector<400x1xf32>
    %max3A_24 = arith.maximumf %sqrt3A, %max3A_23 : vector<400x1xf32>
    %mul3A_25 = vector.broadcast %get3A_18 : vector<1x1xf32> to vector<400x1xf32>
    %mul3A_26 = arith.mulf %mul3A_25, %max3A_24 : vector<400x1xf32>
    %tanh3A = math.tanh %mul3A_26 : vector<400x1xf32>
    %mul3A_27 = vector.broadcast %tanh3A : vector<400x1xf32> to vector<400x128xf32>
    %mul3A_28 = arith.mulf %mul3A_27, %get3A_1 : vector<400x128xf32>
    %div3A = vector.broadcast %mul3A_26 : vector<400x1xf32> to vector<400x128xf32>
    %div3A_29 = arith.divf %mul3A_28, %div3A : vector<400x128xf32>
    %mul3A_30 = arith.mulf %div3A_29, %div3A_29 : vector<400x128xf32>
    %reduce_sum3A_31 = arith.constant dense<0.000000e+00> : vector<400xf32>
    %reduce_sum3A_32 = vector.multi_reduction <add>, %mul3A_30, %reduce_sum3A_31 [1] : vector<400x128xf32> to vector<400xf32>
    %broadcast_in_dim3A_33 = vector.shape_cast %reduce_sum3A_32 : vector<400xf32> to vector<400x1xf32>
    %sqrt3A_34 = math.sqrt %broadcast_in_dim3A_33 : vector<400x1xf32>
    %gt3A = vector.broadcast %get3A_21 : vector<1x1xf32> to vector<400x1xf32>
    %gt3A_35 = arith.cmpf ogt, %sqrt3A_34, %gt3A : vector<400x1xf32>
    %div3A_36 = vector.broadcast %get3A_21 : vector<1x1xf32> to vector<400x1xf32>
    %div3A_37 = arith.divf %div3A_36, %sqrt3A_34 : vector<400x1xf32>
    %jit3A = arith.constant 1.000000e+00 : f32
    %broadcast_in_dim3A_38 = vector.broadcast %jit3A : f32 to vector<400x1xf32>
    %select_n3A = arith.select %gt3A_35, %div3A_37, %broadcast_in_dim3A_38 : vector<400x1xi1>, vector<400x1xf32>
    %mul3A_39 = vector.broadcast %select_n3A : vector<400x1xf32> to vector<400x128xf32>
    %mul3A_40 = arith.mulf %div3A_29, %mul3A_39 : vector<400x128xf32>
    %swap3A = arith.constant 0 : index
    %swap3A_41 = arith.constant 0 : index
    %swap3A_42 = vector.load %arg7[%swap3A, %swap3A_41] : memref<400x256xf32, #tpu.memory_space<vmem>>, vector<400x128xf32>
    tpu.vector_store %arg7[%swap3A, %swap3A_41], %dot_general3A_5 {strides = array<i32>} : memref<400x256xf32, #tpu.memory_space<vmem>>, vector<400x128xf32>,
    %swap3A_43 = arith.constant 0 : index
    %swap3A_44 = arith.constant 128 : index
    %swap3A_45 = vector.load %arg7[%swap3A_43, %swap3A_44] : memref<400x256xf32, #tpu.memory_space<vmem>>, vector<400x128xf32>
    tpu.vector_store %arg7[%swap3A_43, %swap3A_44], %mul3A_40 {strides = array<i32>} : memref<400x256xf32, #tpu.memory_space<vmem>>, vector<400x128xf32>,
    %swap3A_46 = arith.constant 0 : index
    %swap3A_47 = arith.constant 0 : index
    %swap3A_48 = vector.load %arg8[%swap3A_46, %swap3A_47] : memref<400x384xf32, #tpu.memory_space<vmem>>, vector<400x128xf32>
    tpu.vector_store %arg8[%swap3A_46, %swap3A_47], %dot_general3A_10 {strides = array<i32>} : memref<400x384xf32, #tpu.memory_space<vmem>>, vector<400x128xf32>,
    %swap3A_49 = arith.constant 0 : index
    %swap3A_50 = arith.constant 128 : index
    %swap3A_51 = vector.load %arg8[%swap3A_49, %swap3A_50] : memref<400x384xf32, #tpu.memory_space<vmem>>, vector<400x128xf32>
    tpu.vector_store %arg8[%swap3A_49, %swap3A_50], %dot_general3A_15 {strides = array<i32>} : memref<400x384xf32, #tpu.memory_space<vmem>>, vector<400x128xf32>,
    %swap3A_52 = arith.constant 0 : index
    %swap3A_53 = arith.constant 256 : index
    %swap3A_54 = vector.load %arg8[%swap3A_52, %swap3A_53] : memref<400x384xf32, #tpu.memory_space<vmem>>, vector<400x128xf32>
    tpu.vector_store %arg8[%swap3A_52, %swap3A_53], %mul3A_40 {strides = array<i32>} : memref<400x384xf32, #tpu.memory_space<vmem>>, vector<400x128xf32>,
    return
  }
  func.func @transform_0(%arg0: i32) -> (i32, i32) {
    %c0_i32 = arith.constant 0 : i32
    %c0_i32_0 = arith.constant 0 : i32
    return %arg0, %c0_i32 : i32, i32
  }
  func.func @transform_1(%arg0: i32) -> (i32, i32) {
    %c0_i32 = arith.constant 0 : i32
    %c0_i32_0 = arith.constant 0 : i32
    %c0_i32_1 = arith.constant 0 : i32
    return %c0_i32, %c0_i32_0 : i32, i32
  }
  func.func @transform_2(%arg0: i32) -> (i32, i32) {
    %c0_i32 = arith.constant 0 : i32
    %c0_i32_0 = arith.constant 0 : i32
    %c0_i32_1 = arith.constant 0 : i32
    return %c0_i32, %c0_i32_0 : i32, i32
  }
  func.func @transform_3(%arg0: i32) -> (i32, i32) {
    %c0_i32 = arith.constant 0 : i32
    %c0_i32_0 = arith.constant 0 : i32
    %c0_i32_1 = arith.constant 0 : i32
    return %c0_i32, %c0_i32_0 : i32, i32
  }
  func.func @transform_4(%arg0: i32) -> (i32, i32) {
    %c0_i32 = arith.constant 0 : i32
    %c0_i32_0 = arith.constant 0 : i32
    %c0_i32_1 = arith.constant 0 : i32
    return %c0_i32, %c0_i32_0 : i32, i32
  }
  func.func @transform_5(%arg0: i32) -> (i32, i32) {
    %c0_i32 = arith.constant 0 : i32
    %c0_i32_0 = arith.constant 0 : i32
    %c0_i32_1 = arith.constant 0 : i32
    return %c0_i32, %c0_i32_0 : i32, i32
  }
  func.func @transform_6(%arg0: i32) -> (i32, i32) {
    %c0_i32 = arith.constant 0 : i32
    %c0_i32_0 = arith.constant 0 : i32
    return %arg0, %c0_i32 : i32, i32
  }
  func.func @transform_7(%arg0: i32) -> (i32, i32) {
    %c0_i32 = arith.constant 0 : i32
    %c0_i32_0 = arith.constant 0 : i32
    return %arg0, %c0_i32 : i32, i32
  }
}

module attributes {stable_mosaic.version = 14 : i64} {
  func.func @_k2_body(%arg0: i32, %arg1: memref<1000x256xf32, #tpu.memory_space<vmem>>, %arg2: memref<1000x384xf32, #tpu.memory_space<vmem>>, %arg3: memref<1000x32xf32, #tpu.memory_space<vmem>>, %arg4: memref<1000x1xf32, #tpu.memory_space<vmem>>, %arg5: memref<1000x2xf32, #tpu.memory_space<vmem>>, %arg6: memref<2x128xf32, #tpu.memory_space<vmem>>, %arg7: memref<2x128xf32, #tpu.memory_space<vmem>>, %arg8: memref<2x128xf32, #tpu.memory_space<vmem>>, %arg9: memref<128x32xf32, #tpu.memory_space<vmem>>, %arg10: memref<1x128xf32, #tpu.memory_space<vmem>>, %arg11: memref<64x2xf32, #tpu.memory_space<vmem>>, %arg12: memref<1x64xf32, #tpu.memory_space<vmem>>, %arg13: memref<8x64xf32, #tpu.memory_space<vmem>>, %arg14: memref<1x8xf32, #tpu.memory_space<vmem>>, %arg15: memref<1x8xf32, #tpu.memory_space<vmem>>, %arg16: memref<1x8xf32, #tpu.memory_space<vmem>>, %arg17: memref<128x8xf32, #tpu.memory_space<vmem>>, %arg18: memref<8x128xf32, #tpu.memory_space<vmem>>, %arg19: memref<1000x128xf32, #tpu.memory_space<vmem>>, %arg20: memref<1000x128xf32, #tpu.memory_space<vmem>>) attributes {dimension_semantics = [#tpu.dimension_semantics<arbitrary>], iteration_bounds = array<i64: 320>, scalar_prefetch = 0 : i64, scratch_operands = 0 : i64, tpu.core_type = #tpu.core_type<tc>, window_params = [{transform_indices = @transform_0, window_bounds = array<i64: 1000, 256>}, {transform_indices = @transform_1, window_bounds = array<i64: 1000, 384>}, {transform_indices = @transform_2, window_bounds = array<i64: 1000, 32>}, {transform_indices = @transform_3, window_bounds = array<i64: 1000, 1>}, {transform_indices = @transform_4, window_bounds = array<i64: 1000, 2>}, {pipeline_mode = #tpu.pipeline_mode<synchronous>, transform_indices = @transform_5, window_bounds = array<i64: 2, 128>}, {pipeline_mode = #tpu.pipeline_mode<synchronous>, transform_indices = @transform_6, window_bounds = array<i64: 2, 128>}, {pipeline_mode = #tpu.pipeline_mode<synchronous>, transform_indices = @transform_7, window_bounds = array<i64: 2, 128>}, {pipeline_mode = #tpu.pipeline_mode<synchronous>, transform_indices = @transform_8, window_bounds = array<i64: 128, 32>}, {pipeline_mode = #tpu.pipeline_mode<synchronous>, transform_indices = @transform_9, window_bounds = array<i64: 1, 128>}, {pipeline_mode = #tpu.pipeline_mode<synchronous>, transform_indices = @transform_10, window_bounds = array<i64: 64, 2>}, {pipeline_mode = #tpu.pipeline_mode<synchronous>, transform_indices = @transform_11, window_bounds = array<i64: 1, 64>}, {pipeline_mode = #tpu.pipeline_mode<synchronous>, transform_indices = @transform_12, window_bounds = array<i64: 8, 64>}, {pipeline_mode = #tpu.pipeline_mode<synchronous>, transform_indices = @transform_13, window_bounds = array<i64: 1, 8>}, {pipeline_mode = #tpu.pipeline_mode<synchronous>, transform_indices = @transform_14, window_bounds = array<i64: 1, 8>}, {pipeline_mode = #tpu.pipeline_mode<synchronous>, transform_indices = @transform_15, window_bounds = array<i64: 1, 8>}, {pipeline_mode = #tpu.pipeline_mode<synchronous>, transform_indices = @transform_16, window_bounds = array<i64: 128, 8>}, {pipeline_mode = #tpu.pipeline_mode<synchronous>, transform_indices = @transform_17, window_bounds = array<i64: 8, 128>}, {transform_indices = @transform_18, window_bounds = array<i64: 1000, 128>}, {transform_indices = @transform_19, window_bounds = array<i64: 1000, 128>}]} {
    %get3A = arith.constant 0 : index
    %get3A_0 = arith.constant 0 : index
    %get3A_1 = vector.load %arg1[%get3A, %get3A_0] : memref<1000x256xf32, #tpu.memory_space<vmem>>, vector<1000x256xf32>
    %get3A_2 = arith.constant 0 : index
    %get3A_3 = arith.constant 0 : index
    %get3A_4 = vector.load %arg2[%get3A_2, %get3A_3] : memref<1000x384xf32, #tpu.memory_space<vmem>>, vector<1000x384xf32>
    %get3A_5 = arith.constant 0 : index
    %get3A_6 = arith.constant 0 : index
    %get3A_7 = vector.load %arg4[%get3A_5, %get3A_6] : memref<1000x1xf32, #tpu.memory_space<vmem>>, vector<1000x1xf32>
    %get3A_8 = arith.constant 0 : index
    %get3A_9 = arith.constant 0 : index
    %get3A_10 = vector.load %arg6[%get3A_8, %get3A_9] : memref<2x128xf32, #tpu.memory_space<vmem>>, vector<1x128xf32>
    %get3A_11 = arith.constant 1 : index
    %get3A_12 = arith.constant 0 : index
    %get3A_13 = vector.load %arg6[%get3A_11, %get3A_12] : memref<2x128xf32, #tpu.memory_space<vmem>>, vector<1x128xf32>
    %get3A_14 = arith.constant 0 : index
    %get3A_15 = arith.constant 0 : index
    %get3A_16 = vector.load %arg6[%get3A_14, %get3A_15] : memref<2x128xf32, #tpu.memory_space<vmem>>, vector<1x128xf32>
    %sub3A = arith.subf %get3A_13, %get3A_16 : vector<1x128xf32>
    %mul3A = vector.broadcast %get3A_7 : vector<1000x1xf32> to vector<1000x128xf32>
    %mul3A_17 = vector.broadcast %sub3A : vector<1x128xf32> to vector<1000x128xf32>
    %mul3A_18 = arith.mulf %mul3A, %mul3A_17 : vector<1000x128xf32>
    %add3A = vector.broadcast %get3A_10 : vector<1x128xf32> to vector<1000x128xf32>
    %add3A_19 = arith.addf %add3A, %mul3A_18 : vector<1000x128xf32>
    %get3A_20 = arith.constant 0 : index
    %get3A_21 = arith.constant 0 : index
    %get3A_22 = vector.load %arg7[%get3A_20, %get3A_21] : memref<2x128xf32, #tpu.memory_space<vmem>>, vector<1x128xf32>
    %get3A_23 = arith.constant 1 : index
    %get3A_24 = arith.constant 0 : index
    %get3A_25 = vector.load %arg7[%get3A_23, %get3A_24] : memref<2x128xf32, #tpu.memory_space<vmem>>, vector<1x128xf32>
    %get3A_26 = arith.constant 0 : index
    %get3A_27 = arith.constant 0 : index
    %get3A_28 = vector.load %arg7[%get3A_26, %get3A_27] : memref<2x128xf32, #tpu.memory_space<vmem>>, vector<1x128xf32>
    %sub3A_29 = arith.subf %get3A_25, %get3A_28 : vector<1x128xf32>
    %mul3A_30 = vector.broadcast %get3A_7 : vector<1000x1xf32> to vector<1000x128xf32>
    %mul3A_31 = vector.broadcast %sub3A_29 : vector<1x128xf32> to vector<1000x128xf32>
    %mul3A_32 = arith.mulf %mul3A_30, %mul3A_31 : vector<1000x128xf32>
    %add3A_33 = vector.broadcast %get3A_22 : vector<1x128xf32> to vector<1000x128xf32>
    %add3A_34 = arith.addf %add3A_33, %mul3A_32 : vector<1000x128xf32>
    %get3A_35 = arith.constant 0 : index
    %get3A_36 = arith.constant 0 : index
    %get3A_37 = vector.load %arg8[%get3A_35, %get3A_36] : memref<2x128xf32, #tpu.memory_space<vmem>>, vector<1x128xf32>
    %get3A_38 = arith.constant 1 : index
    %get3A_39 = arith.constant 0 : index
    %get3A_40 = vector.load %arg8[%get3A_38, %get3A_39] : memref<2x128xf32, #tpu.memory_space<vmem>>, vector<1x128xf32>
    %get3A_41 = arith.constant 0 : index
    %get3A_42 = arith.constant 0 : index
    %get3A_43 = vector.load %arg8[%get3A_41, %get3A_42] : memref<2x128xf32, #tpu.memory_space<vmem>>, vector<1x128xf32>
    %sub3A_44 = arith.subf %get3A_40, %get3A_43 : vector<1x128xf32>
    %mul3A_45 = vector.broadcast %get3A_7 : vector<1000x1xf32> to vector<1000x128xf32>
    %mul3A_46 = vector.broadcast %sub3A_44 : vector<1x128xf32> to vector<1000x128xf32>
    %mul3A_47 = arith.mulf %mul3A_45, %mul3A_46 : vector<1000x128xf32>
    %add3A_48 = vector.broadcast %get3A_37 : vector<1x128xf32> to vector<1000x128xf32>
    %add3A_49 = arith.addf %add3A_48, %mul3A_47 : vector<1000x128xf32>
    %get3A_50 = arith.constant 0 : index
    %get3A_51 = arith.constant 0 : index
    %get3A_52 = vector.load %arg3[%get3A_50, %get3A_51] : memref<1000x32xf32, #tpu.memory_space<vmem>>, vector<1000x32xf32>
    %get3A_53 = arith.constant 0 : index
    %get3A_54 = arith.constant 0 : index
    %get3A_55 = vector.load %arg9[%get3A_53, %get3A_54] : memref<128x32xf32, #tpu.memory_space<vmem>>, vector<128x32xf32>
    %dot_general3A = arith.constant dense<0.000000e+00> : vector<1000x128xf32>
    %dot_general3A_56 = tpu.matmul %get3A_52, %get3A_55, %dot_general3A {dimension_numbers = #tpu.dot_dimension_numbers<[1], [1], [0], [0], [0, 0, 1, 0], [], []>, transpose_lhs_hint = false} : vector<1000x32xf32>, vector<128x32xf32>, vector<1000x128xf32> -> vector<1000x128xf32>
    %get3A_57 = arith.constant 0 : index
    %get3A_58 = arith.constant 0 : index
    %get3A_59 = vector.load %arg10[%get3A_57, %get3A_58] : memref<1x128xf32, #tpu.memory_space<vmem>>, vector<1x128xf32>
    %add3A_60 = vector.broadcast %get3A_59 : vector<1x128xf32> to vector<1000x128xf32>
    %add3A_61 = arith.addf %dot_general3A_56, %add3A_60 : vector<1000x128xf32>
    %slice3A = vector.extract_strided_slice %get3A_1 {offsets = [0, 0], sizes = [1000, 128], strides = [1, 1]} : vector<1000x256xf32> to vector<1000x128xf32>
    %add3A_62 = arith.addf %slice3A, %add3A_19 : vector<1000x128xf32>
    %slice3A_63 = vector.extract_strided_slice %get3A_4 {offsets = [0, 0], sizes = [1000, 128], strides = [1, 1]} : vector<1000x384xf32> to vector<1000x128xf32>
    %add3A_64 = arith.addf %slice3A_63, %add3A_34 : vector<1000x128xf32>
    %add3A_65 = arith.addf %add3A_64, %add3A_61 : vector<1000x128xf32>
    %slice3A_66 = vector.extract_strided_slice %get3A_4 {offsets = [0, 128], sizes = [1000, 128], strides = [1, 1]} : vector<1000x384xf32> to vector<1000x128xf32>
    %add3A_67 = arith.addf %slice3A_66, %add3A_49 : vector<1000x128xf32>
    %slice3A_68 = vector.extract_strided_slice %get3A_4 {offsets = [0, 256], sizes = [1000, 128], strides = [1, 1]} : vector<1000x384xf32> to vector<1000x128xf32>
    %slice3A_69 = vector.extract_strided_slice %get3A_1 {offsets = [0, 128], sizes = [1000, 128], strides = [1, 1]} : vector<1000x256xf32> to vector<1000x128xf32>
    %sub3A_70 = arith.subf %slice3A_68, %slice3A_69 : vector<1000x128xf32>
    %get3A_71 = arith.constant 0 : index
    %get3A_72 = arith.constant 0 : index
    %get3A_73 = vector.load %arg5[%get3A_71, %get3A_72] : memref<1000x2xf32, #tpu.memory_space<vmem>>, vector<1000x2xf32>
    %get3A_74 = arith.constant 0 : index
    %get3A_75 = arith.constant 0 : index
    %get3A_76 = vector.load %arg11[%get3A_74, %get3A_75] : memref<64x2xf32, #tpu.memory_space<vmem>>, vector<64x2xf32>
    %dot_general3A_77 = arith.constant dense<0.000000e+00> : vector<1000x64xf32>
    %dot_general3A_78 = tpu.matmul %get3A_73, %get3A_76, %dot_general3A_77 {dimension_numbers = #tpu.dot_dimension_numbers<[1], [1], [0], [0], [0, 0, 1, 0], [], []>, transpose_lhs_hint = false} : vector<1000x2xf32>, vector<64x2xf32>, vector<1000x64xf32> -> vector<1000x64xf32>
    %get3A_79 = arith.constant 0 : index
    %get3A_80 = arith.constant 0 : index
    %get3A_81 = vector.load %arg12[%get3A_79, %get3A_80] : memref<1x64xf32, #tpu.memory_space<vmem>>, vector<1x64xf32>
    %add3A_82 = vector.broadcast %get3A_81 : vector<1x64xf32> to vector<1000x64xf32>
    %add3A_83 = arith.addf %dot_general3A_78, %add3A_82 : vector<1000x64xf32>
    %max3A = arith.constant 0.000000e+00 : f32
    %max3A_84 = vector.broadcast %max3A : f32 to vector<1000x64xf32>
    %max3A_85 = arith.maximumf %add3A_83, %max3A_84 : vector<1000x64xf32>
    %get3A_86 = arith.constant 0 : index
    %get3A_87 = arith.constant 0 : index
    %get3A_88 = vector.load %arg13[%get3A_86, %get3A_87] : memref<8x64xf32, #tpu.memory_space<vmem>>, vector<8x64xf32>
    %dot_general3A_89 = arith.constant dense<0.000000e+00> : vector<1000x8xf32>
    %dot_general3A_90 = tpu.matmul %max3A_85, %get3A_88, %dot_general3A_89 {dimension_numbers = #tpu.dot_dimension_numbers<[1], [1], [0], [0], [0, 0, 1, 0], [], []>, transpose_lhs_hint = false} : vector<1000x64xf32>, vector<8x64xf32>, vector<1000x8xf32> -> vector<1000x8xf32>
    %get3A_91 = arith.constant 0 : index
    %get3A_92 = arith.constant 0 : index
    %get3A_93 = vector.load %arg14[%get3A_91, %get3A_92] : memref<1x8xf32, #tpu.memory_space<vmem>>, vector<1x8xf32>
    %add3A_94 = vector.broadcast %get3A_93 : vector<1x8xf32> to vector<1000x8xf32>
    %add3A_95 = arith.addf %dot_general3A_90, %add3A_94 : vector<1000x8xf32>
    %tanh3A = math.tanh %add3A_95 : vector<1000x8xf32>
    %get3A_96 = arith.constant 0 : index
    %get3A_97 = arith.constant 0 : index
    %get3A_98 = vector.load %arg15[%get3A_96, %get3A_97] : memref<1x8xf32, #tpu.memory_space<vmem>>, vector<1x8xf32>
    %mul3A_99 = vector.broadcast %get3A_98 : vector<1x8xf32> to vector<1000x8xf32>
    %mul3A_100 = arith.mulf %mul3A_99, %tanh3A : vector<1000x8xf32>
    %exp3A = math.exp %mul3A_100 : vector<1000x8xf32>
    %mul3A_101 = arith.mulf %add3A_62, %add3A_65 : vector<1000x128xf32>
    %get3A_102 = arith.constant 0 : index
    %get3A_103 = arith.constant 0 : index
    %get3A_104 = vector.load %arg17[%get3A_102, %get3A_103] : memref<128x8xf32, #tpu.memory_space<vmem>>, vector<128x8xf32>
    %dot_general3A_105 = arith.constant dense<0.000000e+00> : vector<1000x8xf32>
    %dot_general3A_106 = tpu.matmul %mul3A_101, %get3A_104, %dot_general3A_105 {dimension_numbers = #tpu.dot_dimension_numbers<[1], [0], [0], [1], [0, 0, 1, 1], [], []>, transpose_lhs_hint = false} : vector<1000x128xf32>, vector<128x8xf32>, vector<1000x8xf32> -> vector<1000x8xf32>
    %mul3A_107 = arith.mulf %sub3A_70, %sub3A_70 : vector<1000x128xf32>
    %reduce_sum3A = arith.constant dense<0.000000e+00> : vector<1000xf32>
    %reduce_sum3A_108 = vector.multi_reduction <add>, %mul3A_107, %reduce_sum3A [1] : vector<1000x128xf32> to vector<1000xf32>
    %broadcast_in_dim3A = vector.shape_cast %reduce_sum3A_108 : vector<1000xf32> to vector<1000x1xf32>
    %sqrt3A = math.sqrt %broadcast_in_dim3A : vector<1000x1xf32>
    %get3A_109 = arith.constant 0 : index
    %get3A_110 = arith.constant 0 : index
    %get3A_111 = vector.load %arg16[%get3A_109, %get3A_110] : memref<1x8xf32, #tpu.memory_space<vmem>>, vector<1x8xf32>
    %mul3A_112 = vector.broadcast %sqrt3A : vector<1000x1xf32> to vector<1000x8xf32>
    %mul3A_113 = vector.broadcast %get3A_111 : vector<1x8xf32> to vector<1000x8xf32>
    %mul3A_114 = arith.mulf %mul3A_112, %mul3A_113 : vector<1000x8xf32>
    %sub3A_115 = arith.subf %dot_general3A_106, %mul3A_114 : vector<1000x8xf32>
    %mul3A_116 = arith.mulf %exp3A, %sub3A_115 : vector<1000x8xf32>
    %exp3A_117 = math.exp %mul3A_116 : vector<1000x8xf32>
    %get3A_118 = arith.constant 0 : index
    %get3A_119 = arith.constant 0 : index
    %get3A_120 = vector.load %arg18[%get3A_118, %get3A_119] : memref<8x128xf32, #tpu.memory_space<vmem>>, vector<8x128xf32>
    %dot_general3A_121 = arith.constant dense<0.000000e+00> : vector<1000x128xf32>
    %dot_general3A_122 = tpu.matmul %exp3A_117, %get3A_120, %dot_general3A_121 {dimension_numbers = #tpu.dot_dimension_numbers<[1], [0], [0], [1], [0, 0, 1, 1], [], []>, transpose_lhs_hint = false} : vector<1000x8xf32>, vector<8x128xf32>, vector<1000x128xf32> -> vector<1000x128xf32>
    %mul3A_123 = arith.mulf %add3A_67, %dot_general3A_122 : vector<1000x128xf32>
    %swap3A = arith.constant 0 : index
    %swap3A_124 = arith.constant 0 : index
    %swap3A_125 = vector.load %arg19[%swap3A, %swap3A_124] : memref<1000x128xf32, #tpu.memory_space<vmem>>, vector<1000x128xf32>
    tpu.vector_store %arg19[%swap3A, %swap3A_124], %mul3A_123 {strides = array<i32>} : memref<1000x128xf32, #tpu.memory_space<vmem>>, vector<1000x128xf32>,
    %swap3A_126 = arith.constant 0 : index
    %swap3A_127 = arith.constant 0 : index
    %swap3A_128 = vector.load %arg20[%swap3A_126, %swap3A_127] : memref<1000x128xf32, #tpu.memory_space<vmem>>, vector<1000x128xf32>
    tpu.vector_store %arg20[%swap3A_126, %swap3A_127], %dot_general3A_122 {strides = array<i32>} : memref<1000x128xf32, #tpu.memory_space<vmem>>, vector<1000x128xf32>,
    return
  }
  func.func @transform_0(%arg0: i32) -> (i32, i32) {
    %c0_i32 = arith.constant 0 : i32
    %c0_i32_0 = arith.constant 0 : i32
    return %arg0, %c0_i32 : i32, i32
  }
  func.func @transform_1(%arg0: i32) -> (i32, i32) {
    %c0_i32 = arith.constant 0 : i32
    %c0_i32_0 = arith.constant 0 : i32
    return %arg0, %c0_i32 : i32, i32
  }
  func.func @transform_2(%arg0: i32) -> (i32, i32) {
    %c0_i32 = arith.constant 0 : i32
    %c0_i32_0 = arith.constant 0 : i32
    return %arg0, %c0_i32 : i32, i32
  }
  func.func @transform_3(%arg0: i32) -> (i32, i32) {
    %c0_i32 = arith.constant 0 : i32
    %c0_i32_0 = arith.constant 0 : i32
    return %arg0, %c0_i32 : i32, i32
  }
  func.func @transform_4(%arg0: i32) -> (i32, i32) {
    %c0_i32 = arith.constant 0 : i32
    %c0_i32_0 = arith.constant 0 : i32
    return %arg0, %c0_i32 : i32, i32
  }
  func.func @transform_5(%arg0: i32) -> (i32, i32) {
    %c0_i32 = arith.constant 0 : i32
    %c0_i32_0 = arith.constant 0 : i32
    %c0_i32_1 = arith.constant 0 : i32
    return %c0_i32, %c0_i32_0 : i32, i32
  }
  func.func @transform_6(%arg0: i32) -> (i32, i32) {
    %c0_i32 = arith.constant 0 : i32
    %c0_i32_0 = arith.constant 0 : i32
    %c0_i32_1 = arith.constant 0 : i32
    return %c0_i32, %c0_i32_0 : i32, i32
  }
  func.func @transform_7(%arg0: i32) -> (i32, i32) {
    %c0_i32 = arith.constant 0 : i32
    %c0_i32_0 = arith.constant 0 : i32
    %c0_i32_1 = arith.constant 0 : i32
    return %c0_i32, %c0_i32_0 : i32, i32
  }
  func.func @transform_8(%arg0: i32) -> (i32, i32) {
    %c0_i32 = arith.constant 0 : i32
    %c0_i32_0 = arith.constant 0 : i32
    %c0_i32_1 = arith.constant 0 : i32
    return %c0_i32, %c0_i32_0 : i32, i32
  }
  func.func @transform_9(%arg0: i32) -> (i32, i32) {
    %c0_i32 = arith.constant 0 : i32
    %c0_i32_0 = arith.constant 0 : i32
    %c0_i32_1 = arith.constant 0 : i32
    return %c0_i32, %c0_i32_0 : i32, i32
  }
  func.func @transform_10(%arg0: i32) -> (i32, i32) {
    %c0_i32 = arith.constant 0 : i32
    %c0_i32_0 = arith.constant 0 : i32
    %c0_i32_1 = arith.constant 0 : i32
    return %c0_i32, %c0_i32_0 : i32, i32
  }
  func.func @transform_11(%arg0: i32) -> (i32, i32) {
    %c0_i32 = arith.constant 0 : i32
    %c0_i32_0 = arith.constant 0 : i32
    %c0_i32_1 = arith.constant 0 : i32
    return %c0_i32, %c0_i32_0 : i32, i32
  }
  func.func @transform_12(%arg0: i32) -> (i32, i32) {
    %c0_i32 = arith.constant 0 : i32
    %c0_i32_0 = arith.constant 0 : i32
    %c0_i32_1 = arith.constant 0 : i32
    return %c0_i32, %c0_i32_0 : i32, i32
  }
  func.func @transform_13(%arg0: i32) -> (i32, i32) {
    %c0_i32 = arith.constant 0 : i32
    %c0_i32_0 = arith.constant 0 : i32
    %c0_i32_1 = arith.constant 0 : i32
    return %c0_i32, %c0_i32_0 : i32, i32
  }
  func.func @transform_14(%arg0: i32) -> (i32, i32) {
    %c0_i32 = arith.constant 0 : i32
    %c0_i32_0 = arith.constant 0 : i32
    %c0_i32_1 = arith.constant 0 : i32
    return %c0_i32, %c0_i32_0 : i32, i32
  }
  func.func @transform_15(%arg0: i32) -> (i32, i32) {
    %c0_i32 = arith.constant 0 : i32
    %c0_i32_0 = arith.constant 0 : i32
    %c0_i32_1 = arith.constant 0 : i32
    return %c0_i32, %c0_i32_0 : i32, i32
  }
  func.func @transform_16(%arg0: i32) -> (i32, i32) {
    %c0_i32 = arith.constant 0 : i32
    %c0_i32_0 = arith.constant 0 : i32
    %c0_i32_1 = arith.constant 0 : i32
    return %c0_i32, %c0_i32_0 : i32, i32
  }
  func.func @transform_17(%arg0: i32) -> (i32, i32) {
    %c0_i32 = arith.constant 0 : i32
    %c0_i32_0 = arith.constant 0 : i32
    %c0_i32_1 = arith.constant 0 : i32
    return %c0_i32, %c0_i32_0 : i32, i32
  }
  func.func @transform_18(%arg0: i32) -> (i32, i32) {
    %c0_i32 = arith.constant 0 : i32
    %c0_i32_0 = arith.constant 0 : i32
    return %arg0, %c0_i32 : i32, i32
  }
  func.func @transform_19(%arg0: i32) -> (i32, i32) {
    %c0_i32 = arith.constant 0 : i32
    %c0_i32_0 = arith.constant 0 : i32
    return %arg0, %c0_i32 : i32, i32
  }
}

module attributes {stable_mosaic.version = 14 : i64} {
  func.func @_k3_body(%arg0: i32, %arg1: memref<400x128xf32, #tpu.memory_space<vmem>>, %arg2: memref<400x128xf32, #tpu.memory_space<vmem>>, %arg3: memref<400x128xf32, #tpu.memory_space<vmem>>, %arg4: memref<128x128xf32, #tpu.memory_space<vmem>>, %arg5: memref<1x128xf32, #tpu.memory_space<vmem>>, %arg6: memref<1x128xf32, #tpu.memory_space<vmem>>, %arg7: memref<1x128xf32, #tpu.memory_space<vmem>>, %arg8: memref<1x128xf32, #tpu.memory_space<vmem>>, %arg9: memref<1x128xf32, #tpu.memory_space<vmem>>, %arg10: memref<512x128xf32, #tpu.memory_space<vmem>>, %arg11: memref<1x512xf32, #tpu.memory_space<vmem>>, %arg12: memref<128x512xf32, #tpu.memory_space<vmem>>, %arg13: memref<1x128xf32, #tpu.memory_space<vmem>>, %arg14: memref<400x128xf32, #tpu.memory_space<vmem>>) attributes {dimension_semantics = [#tpu.dimension_semantics<arbitrary>], iteration_bounds = array<i64: 25>, scalar_prefetch = 0 : i64, scratch_operands = 0 : i64, tpu.core_type = #tpu.core_type<tc>, window_params = [{transform_indices = @transform_0, window_bounds = array<i64: 400, 128>}, {transform_indices = @transform_1, window_bounds = array<i64: 400, 128>}, {transform_indices = @transform_2, window_bounds = array<i64: 400, 128>}, {pipeline_mode = #tpu.pipeline_mode<synchronous>, transform_indices = @transform_3, window_bounds = array<i64: 128, 128>}, {pipeline_mode = #tpu.pipeline_mode<synchronous>, transform_indices = @transform_4, window_bounds = array<i64: 1, 128>}, {pipeline_mode = #tpu.pipeline_mode<synchronous>, transform_indices = @transform_5, window_bounds = array<i64: 1, 128>}, {pipeline_mode = #tpu.pipeline_mode<synchronous>, transform_indices = @transform_6, window_bounds = array<i64: 1, 128>}, {pipeline_mode = #tpu.pipeline_mode<synchronous>, transform_indices = @transform_7, window_bounds = array<i64: 1, 128>}, {pipeline_mode = #tpu.pipeline_mode<synchronous>, transform_indices = @transform_8, window_bounds = array<i64: 1, 128>}, {pipeline_mode = #tpu.pipeline_mode<synchronous>, transform_indices = @transform_9, window_bounds = array<i64: 512, 128>}, {pipeline_mode = #tpu.pipeline_mode<synchronous>, transform_indices = @transform_10, window_bounds = array<i64: 1, 512>}, {pipeline_mode = #tpu.pipeline_mode<synchronous>, transform_indices = @transform_11, window_bounds = array<i64: 128, 512>}, {pipeline_mode = #tpu.pipeline_mode<synchronous>, transform_indices = @transform_12, window_bounds = array<i64: 1, 128>}, {transform_indices = @transform_13, window_bounds = array<i64: 400, 128>}]} {
    %get3A = arith.constant 0 : index
    %get3A_0 = arith.constant 0 : index
    %get3A_1 = vector.load %arg1[%get3A, %get3A_0] : memref<400x128xf32, #tpu.memory_space<vmem>>, vector<400x128xf32>
    %get3A_2 = arith.constant 0 : index
    %get3A_3 = arith.constant 0 : index
    %get3A_4 = vector.load %arg2[%get3A_2, %get3A_3] : memref<400x128xf32, #tpu.memory_space<vmem>>, vector<400x128xf32>
    %get3A_5 = arith.constant 0 : index
    %get3A_6 = arith.constant 0 : index
    %get3A_7 = vector.load %arg3[%get3A_5, %get3A_6] : memref<400x128xf32, #tpu.memory_space<vmem>>, vector<400x128xf32>
    %div3A = arith.divf %get3A_4, %get3A_7 : vector<400x128xf32>
    %get3A_8 = arith.constant 0 : index
    %get3A_9 = arith.constant 0 : index
    %get3A_10 = vector.load %arg4[%get3A_8, %get3A_9] : memref<128x128xf32, #tpu.memory_space<vmem>>, vector<128x128xf32>
    %dot_general3A = arith.constant dense<0.000000e+00> : vector<400x128xf32>
    %dot_general3A_11 = tpu.matmul %div3A, %get3A_10, %dot_general3A {dimension_numbers = #tpu.dot_dimension_numbers<[1], [1], [0], [0], [0, 0, 1, 0], [], []>, transpose_lhs_hint = false} : vector<400x128xf32>, vector<128x128xf32>, vector<400x128xf32> -> vector<400x128xf32>
    %get3A_12 = arith.constant 0 : index
    %get3A_13 = arith.constant 0 : index
    %get3A_14 = vector.load %arg5[%get3A_12, %get3A_13] : memref<1x128xf32, #tpu.memory_space<vmem>>, vector<1x128xf32>
    %add3A = vector.broadcast %get3A_14 : vector<1x128xf32> to vector<400x128xf32>
    %add3A_15 = arith.addf %dot_general3A_11, %add3A : vector<400x128xf32>
    %add3A_16 = arith.addf %get3A_1, %add3A_15 : vector<400x128xf32>
    %reduce_sum3A = arith.constant dense<0.000000e+00> : vector<400xf32>
    %reduce_sum3A_17 = vector.multi_reduction <add>, %add3A_16, %reduce_sum3A [1] : vector<400x128xf32> to vector<400xf32>
    %broadcast_in_dim3A = vector.shape_cast %reduce_sum3A_17 : vector<400xf32> to vector<400x1xf32>
    %div3A_18 = arith.constant 1.280000e+02 : f32
    %div3A_19 = vector.broadcast %div3A_18 : f32 to vector<400x1xf32>
    %div3A_20 = arith.divf %broadcast_in_dim3A, %div3A_19 : vector<400x1xf32>
    %sub3A = vector.broadcast %div3A_20 : vector<400x1xf32> to vector<400x128xf32>
    %sub3A_21 = arith.subf %add3A_16, %sub3A : vector<400x128xf32>
    %sub3A_22 = vector.broadcast %div3A_20 : vector<400x1xf32> to vector<400x128xf32>
    %sub3A_23 = arith.subf %add3A_16, %sub3A_22 : vector<400x128xf32>
    %mul3A = arith.mulf %sub3A_21, %sub3A_23 : vector<400x128xf32>
    %reduce_sum3A_24 = arith.constant dense<0.000000e+00> : vector<400xf32>
    %reduce_sum3A_25 = vector.multi_reduction <add>, %mul3A, %reduce_sum3A_24 [1] : vector<400x128xf32> to vector<400xf32>
    %broadcast_in_dim3A_26 = vector.shape_cast %reduce_sum3A_25 : vector<400xf32> to vector<400x1xf32>
    %div3A_27 = arith.constant 1.280000e+02 : f32
    %div3A_28 = vector.broadcast %div3A_27 : f32 to vector<400x1xf32>
    %div3A_29 = arith.divf %broadcast_in_dim3A_26, %div3A_28 : vector<400x1xf32>
    %sub3A_30 = vector.broadcast %div3A_20 : vector<400x1xf32> to vector<400x128xf32>
    %sub3A_31 = arith.subf %add3A_16, %sub3A_30 : vector<400x128xf32>
    %add3A_32 = arith.constant 9.99999974E-6 : f32
    %add3A_33 = vector.broadcast %add3A_32 : f32 to vector<400x1xf32>
    %add3A_34 = arith.addf %div3A_29, %add3A_33 : vector<400x1xf32>
    %sqrt3A = math.sqrt %add3A_34 : vector<400x1xf32>
    %div3A_35 = vector.broadcast %sqrt3A : vector<400x1xf32> to vector<400x128xf32>
    %div3A_36 = arith.divf %sub3A_31, %div3A_35 : vector<400x128xf32>
    %get3A_37 = arith.constant 0 : index
    %get3A_38 = arith.constant 0 : index
    %get3A_39 = vector.load %arg6[%get3A_37, %get3A_38] : memref<1x128xf32, #tpu.memory_space<vmem>>, vector<1x128xf32>
    %mul3A_40 = vector.broadcast %get3A_39 : vector<1x128xf32> to vector<400x128xf32>
    %mul3A_41 = arith.mulf %div3A_36, %mul3A_40 : vector<400x128xf32>
    %get3A_42 = arith.constant 0 : index
    %get3A_43 = arith.constant 0 : index
    %get3A_44 = vector.load %arg7[%get3A_42, %get3A_43] : memref<1x128xf32, #tpu.memory_space<vmem>>, vector<1x128xf32>
    %add3A_45 = vector.broadcast %get3A_44 : vector<1x128xf32> to vector<400x128xf32>
    %add3A_46 = arith.addf %mul3A_41, %add3A_45 : vector<400x128xf32>
    %get3A_47 = arith.constant 0 : index
    %get3A_48 = arith.constant 0 : index
    %get3A_49 = vector.load %arg10[%get3A_47, %get3A_48] : memref<512x128xf32, #tpu.memory_space<vmem>>, vector<512x128xf32>
    %dot_general3A_50 = arith.constant dense<0.000000e+00> : vector<400x512xf32>
    %dot_general3A_51 = tpu.matmul %add3A_46, %get3A_49, %dot_general3A_50 {dimension_numbers = #tpu.dot_dimension_numbers<[1], [1], [0], [0], [0, 0, 1, 0], [], []>, transpose_lhs_hint = false} : vector<400x128xf32>, vector<512x128xf32>, vector<400x512xf32> -> vector<400x512xf32>
    %get3A_52 = arith.constant 0 : index
    %get3A_53 = arith.constant 0 : index
    %get3A_54 = vector.load %arg11[%get3A_52, %get3A_53] : memref<1x512xf32, #tpu.memory_space<vmem>>, vector<1x512xf32>
    %add3A_55 = vector.broadcast %get3A_54 : vector<1x512xf32> to vector<400x512xf32>
    %add3A_56 = arith.addf %dot_general3A_51, %add3A_55 : vector<400x512xf32>
    %mul3A_57 = arith.constant 5.000000e-01 : f32
    %mul3A_58 = vector.broadcast %mul3A_57 : f32 to vector<400x512xf32>
    %mul3A_59 = arith.mulf %mul3A_58, %add3A_56 : vector<400x512xf32>
    %mul3A_60 = arith.constant 0.707106769 : f32
    %mul3A_61 = vector.broadcast %mul3A_60 : f32 to vector<400x512xf32>
    %mul3A_62 = arith.mulf %add3A_56, %mul3A_61 : vector<400x512xf32>
    %erf3A = math.erf %mul3A_62 : vector<400x512xf32>
    %add3A_63 = arith.constant 1.000000e+00 : f32
    %add3A_64 = vector.broadcast %add3A_63 : f32 to vector<400x512xf32>
    %add3A_65 = arith.addf %add3A_64, %erf3A : vector<400x512xf32>
    %mul3A_66 = arith.mulf %mul3A_59, %add3A_65 : vector<400x512xf32>
    %get3A_67 = arith.constant 0 : index
    %get3A_68 = arith.constant 0 : index
    %get3A_69 = vector.load %arg12[%get3A_67, %get3A_68] : memref<128x512xf32, #tpu.memory_space<vmem>>, vector<128x512xf32>
    %dot_general3A_70 = arith.constant dense<0.000000e+00> : vector<400x128xf32>
    %dot_general3A_71 = tpu.matmul %mul3A_66, %get3A_69, %dot_general3A_70 {dimension_numbers = #tpu.dot_dimension_numbers<[1], [1], [0], [0], [0, 0, 1, 0], [], []>, transpose_lhs_hint = false} : vector<400x512xf32>, vector<128x512xf32>, vector<400x128xf32> -> vector<400x128xf32>
    %get3A_72 = arith.constant 0 : index
    %get3A_73 = arith.constant 0 : index
    %get3A_74 = vector.load %arg13[%get3A_72, %get3A_73] : memref<1x128xf32, #tpu.memory_space<vmem>>, vector<1x128xf32>
    %add3A_75 = vector.broadcast %get3A_74 : vector<1x128xf32> to vector<400x128xf32>
    %add3A_76 = arith.addf %dot_general3A_71, %add3A_75 : vector<400x128xf32>
    %add3A_77 = arith.addf %add3A_46, %add3A_76 : vector<400x128xf32>
    %reduce_sum3A_78 = arith.constant dense<0.000000e+00> : vector<400xf32>
    %reduce_sum3A_79 = vector.multi_reduction <add>, %add3A_77, %reduce_sum3A_78 [1] : vector<400x128xf32> to vector<400xf32>
    %broadcast_in_dim3A_80 = vector.shape_cast %reduce_sum3A_79 : vector<400xf32> to vector<400x1xf32>
    %div3A_81 = arith.constant 1.280000e+02 : f32
    %div3A_82 = vector.broadcast %div3A_81 : f32 to vector<400x1xf32>
    %div3A_83 = arith.divf %broadcast_in_dim3A_80, %div3A_82 : vector<400x1xf32>
    %sub3A_84 = vector.broadcast %div3A_83 : vector<400x1xf32> to vector<400x128xf32>
    %sub3A_85 = arith.subf %add3A_77, %sub3A_84 : vector<400x128xf32>
    %sub3A_86 = vector.broadcast %div3A_83 : vector<400x1xf32> to vector<400x128xf32>
    %sub3A_87 = arith.subf %add3A_77, %sub3A_86 : vector<400x128xf32>
    %mul3A_88 = arith.mulf %sub3A_85, %sub3A_87 : vector<400x128xf32>
    %reduce_sum3A_89 = arith.constant dense<0.000000e+00> : vector<400xf32>
    %reduce_sum3A_90 = vector.multi_reduction <add>, %mul3A_88, %reduce_sum3A_89 [1] : vector<400x128xf32> to vector<400xf32>
    %broadcast_in_dim3A_91 = vector.shape_cast %reduce_sum3A_90 : vector<400xf32> to vector<400x1xf32>
    %div3A_92 = arith.constant 1.280000e+02 : f32
    %div3A_93 = vector.broadcast %div3A_92 : f32 to vector<400x1xf32>
    %div3A_94 = arith.divf %broadcast_in_dim3A_91, %div3A_93 : vector<400x1xf32>
    %sub3A_95 = vector.broadcast %div3A_83 : vector<400x1xf32> to vector<400x128xf32>
    %sub3A_96 = arith.subf %add3A_77, %sub3A_95 : vector<400x128xf32>
    %add3A_97 = arith.constant 9.99999974E-6 : f32
    %add3A_98 = vector.broadcast %add3A_97 : f32 to vector<400x1xf32>
    %add3A_99 = arith.addf %div3A_94, %add3A_98 : vector<400x1xf32>
    %sqrt3A_100 = math.sqrt %add3A_99 : vector<400x1xf32>
    %div3A_101 = vector.broadcast %sqrt3A_100 : vector<400x1xf32> to vector<400x128xf32>
    %div3A_102 = arith.divf %sub3A_96, %div3A_101 : vector<400x128xf32>
    %get3A_103 = arith.constant 0 : index
    %get3A_104 = arith.constant 0 : index
    %get3A_105 = vector.load %arg8[%get3A_103, %get3A_104] : memref<1x128xf32, #tpu.memory_space<vmem>>, vector<1x128xf32>
    %mul3A_106 = vector.broadcast %get3A_105 : vector<1x128xf32> to vector<400x128xf32>
    %mul3A_107 = arith.mulf %div3A_102, %mul3A_106 : vector<400x128xf32>
    %get3A_108 = arith.constant 0 : index
    %get3A_109 = arith.constant 0 : index
    %get3A_110 = vector.load %arg9[%get3A_108, %get3A_109] : memref<1x128xf32, #tpu.memory_space<vmem>>, vector<1x128xf32>
    %add3A_111 = vector.broadcast %get3A_110 : vector<1x128xf32> to vector<400x128xf32>
    %add3A_112 = arith.addf %mul3A_107, %add3A_111 : vector<400x128xf32>
    %swap3A = arith.constant 0 : index
    %swap3A_113 = arith.constant 0 : index
    %swap3A_114 = vector.load %arg14[%swap3A, %swap3A_113] : memref<400x128xf32, #tpu.memory_space<vmem>>, vector<400x128xf32>
    tpu.vector_store %arg14[%swap3A, %swap3A_113], %add3A_112 {strides = array<i32>} : memref<400x128xf32, #tpu.memory_space<vmem>>, vector<400x128xf32>,
    return
  }
  func.func @transform_0(%arg0: i32) -> (i32, i32) {
    %c0_i32 = arith.constant 0 : i32
    %c0_i32_0 = arith.constant 0 : i32
    return %arg0, %c0_i32 : i32, i32
  }
  func.func @transform_1(%arg0: i32) -> (i32, i32) {
    %c0_i32 = arith.constant 0 : i32
    %c0_i32_0 = arith.constant 0 : i32
    return %arg0, %c0_i32 : i32, i32
  }
  func.func @transform_2(%arg0: i32) -> (i32, i32) {
    %c0_i32 = arith.constant 0 : i32
    %c0_i32_0 = arith.constant 0 : i32
    return %arg0, %c0_i32 : i32, i32
  }
  func.func @transform_3(%arg0: i32) -> (i32, i32) {
    %c0_i32 = arith.constant 0 : i32
    %c0_i32_0 = arith.constant 0 : i32
    %c0_i32_1 = arith.constant 0 : i32
    return %c0_i32, %c0_i32_0 : i32, i32
  }
  func.func @transform_4(%arg0: i32) -> (i32, i32) {
    %c0_i32 = arith.constant 0 : i32
    %c0_i32_0 = arith.constant 0 : i32
    %c0_i32_1 = arith.constant 0 : i32
    return %c0_i32, %c0_i32_0 : i32, i32
  }
  func.func @transform_5(%arg0: i32) -> (i32, i32) {
    %c0_i32 = arith.constant 0 : i32
    %c0_i32_0 = arith.constant 0 : i32
    %c0_i32_1 = arith.constant 0 : i32
    return %c0_i32, %c0_i32_0 : i32, i32
  }
  func.func @transform_6(%arg0: i32) -> (i32, i32) {
    %c0_i32 = arith.constant 0 : i32
    %c0_i32_0 = arith.constant 0 : i32
    %c0_i32_1 = arith.constant 0 : i32
    return %c0_i32, %c0_i32_0 : i32, i32
  }
  func.func @transform_7(%arg0: i32) -> (i32, i32) {
    %c0_i32 = arith.constant 0 : i32
    %c0_i32_0 = arith.constant 0 : i32
    %c0_i32_1 = arith.constant 0 : i32
    return %c0_i32, %c0_i32_0 : i32, i32
  }
  func.func @transform_8(%arg0: i32) -> (i32, i32) {
    %c0_i32 = arith.constant 0 : i32
    %c0_i32_0 = arith.constant 0 : i32
    %c0_i32_1 = arith.constant 0 : i32
    return %c0_i32, %c0_i32_0 : i32, i32
  }
  func.func @transform_9(%arg0: i32) -> (i32, i32) {
    %c0_i32 = arith.constant 0 : i32
    %c0_i32_0 = arith.constant 0 : i32
    %c0_i32_1 = arith.constant 0 : i32
    return %c0_i32, %c0_i32_0 : i32, i32
  }
  func.func @transform_10(%arg0: i32) -> (i32, i32) {
    %c0_i32 = arith.constant 0 : i32
    %c0_i32_0 = arith.constant 0 : i32
    %c0_i32_1 = arith.constant 0 : i32
    return %c0_i32, %c0_i32_0 : i32, i32
  }
  func.func @transform_11(%arg0: i32) -> (i32, i32) {
    %c0_i32 = arith.constant 0 : i32
    %c0_i32_0 = arith.constant 0 : i32
    %c0_i32_1 = arith.constant 0 : i32
    return %c0_i32, %c0_i32_0 : i32, i32
  }
  func.func @transform_12(%arg0: i32) -> (i32, i32) {
    %c0_i32 = arith.constant 0 : i32
    %c0_i32_0 = arith.constant 0 : i32
    %c0_i32_1 = arith.constant 0 : i32
    return %c0_i32, %c0_i32_0 : i32, i32
  }
  func.func @transform_13(%arg0: i32) -> (i32, i32) {
    %c0_i32 = arith.constant 0 : i32
    %c0_i32_0 = arith.constant 0 : i32
    return %arg0, %c0_i32 : i32, i32
  }
}

</mosaic_0001>

<sc_bundles>
// kernel: kernel.11.cloned.1.call-start
scs
__scs_entry_jumppad:
0x0: {  	(pc) =	sbr.rel $0x88, $3  }
0x1: {  	(tag) =	ssettag $0x0;
	lr =	simm.s32 $0x1  }
0x2: {  	[smem:$0x3F82] =	sst lr;
	_ =	strace $0xD0000000  }
0x3: {  	_ = 	snop  }
0x4: {  	_ = 	snop  }
0x5: {  	_ = 	snop  }
0x6: {  	_ = 	snop  }
0x7: {  	_ = 	snop  }
__scs_overlays_trampoline_lowered:
0x8: {  	[smem:$0x3F91] =	sst s0  }
0x9: {  	[smem:$0x3F92] =	sst s1  }
0xa: {  	[smem:$0x3F93] =	sst s2  }
0xb: {  	[smem:$0x3F94] =	sst s3  }
0xc: {  	[smem:$0x3F95] =	sst s4  }
0xd: {  	[smem:$0x3F96] =	sst s5  }
0xe: {  	[smem:$0x3F97] =	sst s6  }
0xf: {  	[smem:$0x3F98] =	sst s7  }
0x10: {  	[smem:$0x3F99] =	sst s8  }
0x11: {  	[smem:$0x3F9A] =	sst s9;
	s0 =	simm.s32 @!p0 $0x0  }
0x12: {  	s1 =	sld [smem:$0x3F80];
	s0 =	simm.s32 @p0 $0x1  }
0x13: {  	[smem:$0x3F9B] =	sst s0;
	s0 =	simm.s32 @!p1 $0x0  }
0x14: {  	s2 =	sld [smem:$0x3F7F];
	s0 =	simm.s32 @p1 $0x1  }
0x15: {  	[smem:$0x3F9C] =	sst s0;
	s0 =	simm.s32 @!p2 $0x0  }
0x16: {  	s3 =	sld [smem:$0x3FDB];
	s0 =	simm.s32 @p2 $0x1  }
0x17: {  	s4 =	simm.s32 $0x1BF5;
	[smem:$0x3F9E] =	sst s0  }
0x18: {  	s0 =	sld [smem:$0x3F81];
	_ =	swait.ge [sflag:s4], $0x0  }
0x19: {  	s7 =	sld [smem:$0x3F82]  }
0x1a: {  	s8 =	sadd.s32 $0xFFFFE003, lr  }
0x1b: {  	s9 =	sadd.s32 $0xFFFFFEF7, lr;
	s5 =	simm.s32 $0xFFFFFFFF;
	p2 =	slt.u32 s8, $0xFFFFF086  }
0x1c: {  	p1 =	slt.u32 s9, $0xF7A;
	s5 =	simm.s32 @!p2 $0x0  }
0x1d: {  	s5 =	simm.s32 @p1 $0x1;
	p0 =	seq.s32 s7, s2  }
0x1e: {  	s7 =	smul.u32 @!p0 $0xF7A, s2;
	p2 =	seq.s32 @!p0 s5, $0x0  }
0x1f: {  	s9 =	smul.u32 $0xF7A, s1;
	s8 =	simm.s32 @!p0 $0x1BF5;
	p2 =	por !p2, p0  }
0x20: {  	[sflag:s8] =	ssyncset.s32 @!p0 $0xFFFFF086;
	s6 =	sadd.s32 @!p0 s3, s7;
	s7 =	simm.s32 @!p0 $0x108  }
0x21: {  	s3 =	sadd.s32 s3, s9;
	s6 =	sadd.s32 @!p0 $0x88, s6;
	s7 =	simm.s32 @p2 $0x1082  }
0x22: {  	[simem:s7], [sflag:s8] =	dma.local @!p0 [hbm:s6], $0xF7A  }
0x23: {  	s9 =	sor.u32 $0xD0000000, s2;
	s6 =	simm.s32 $0x108;
	_ =	swait.ge @!p0 [sflag:s8], $0x0  }
0x24: {  	s3 =	sadd.s32 $0x88, s3;
	s6 =	simm.s32 @!p1 $0x1082;
	[sflag:s4] =	ssyncset.s32 $0xFFFFF086  }
0x25: {  	[simem:s6], [sflag:s4] =	dma.local [hbm:s3], $0xF7A  }
0x26: {  	[smem:$0x3F82] =	sst s1;
	(tag) =	ssettag s2;
	_ =	strace s9  }
0x27: {  	s1 =	sld [smem:$0x3F92]  }
0x28: {  	s2 =	sld [smem:$0x3F93]  }
0x29: {  	s4 =	sld [smem:$0x3F95]  }
0x2a: {  	p0 =	seq.s32 s5, $0x0;
	s5 =	sld [smem:$0x3F96]  }
0x2b: {  	s6 =	sld [smem:$0x3F97]  }
0x2c: {  	s7 =	sld [smem:$0x3F98]  }
0x2d: {  	s3 =	simm.s32 $0x108;
	s8 =	sld [smem:$0x3F99]  }
0x2e: {  	s3 =	simm.s32 @!p0 $0x1082;
	s9 =	sld [smem:$0x3F9A]  }
0x2f: {  	lr =	sadd.s32 s0, s3;
	s0 =	sld [smem:$0x3F91]  }
0x30: {  	s3 =	sld [smem:$0x3F94]  }
0x31: {  	[smem:$0x3F9D] =	sst s10  }
0x32: {  	s10 =	sld [smem:$0x3F9B];
	_ =	sdelay $0x3  }
0x33: {  	p0 =	seq.s32 s10, $0x1;
	s10 =	sld [smem:$0x3F9D];
	_ =	sdelay $0x3  }
0x34: {  	[smem:$0x3F9D] =	sst s10  }
0x35: {  	s10 =	sld [smem:$0x3F9C];
	_ =	sdelay $0x3  }
0x36: {  	p1 =	seq.s32 s10, $0x1;
	s10 =	sld [smem:$0x3F9D];
	_ =	sdelay $0x3  }
0x37: {  	[smem:$0x3F9D] =	sst s10  }
0x38: {  	s10 =	sld [smem:$0x3F9E]  }
0x39: {  	_ = 	snop;
	(pc) =	sbr.ind lr, $3  }
0x3a: {  	_ = 	snop  }
0x3b: {  	_ = 	snop  }
0x3c: {  	p2 =	seq.s32 s10, $0x1;
	s10 =	sld [smem:$0x3F9D]  }
0x3d: {  	_ =	shalt  }
0x3e: {  	_ =	shalt  }
0x3f: {  	_ =	shalt  }
0x40: {  	_ =	shalt  }
0x41: {  	_ =	shalt  }
0x42: {  	_ =	shalt  }
0x43: {  	_ =	shalt  }
0x44: {  	_ =	shalt  }
0x45: {  	_ =	shalt  }
0x46: {  	_ =	shalt  }
0x47: {  	_ =	shalt  }
0x48: {  	_ =	shalt  }
0x49: {  	_ =	shalt  }
0x4a: {  	_ =	shalt  }
0x4b: {  	_ =	shalt  }
0x4c: {  	_ =	shalt  }
0x4d: {  	_ =	shalt  }
0x4e: {  	_ =	shalt  }
0x4f: {  	_ =	shalt  }
0x50: {  	_ =	shalt  }
0x51: {  	_ =	shalt  }
0x52: {  	_ =	shalt  }
0x53: {  	_ =	shalt  }
0x54: {  	_ =	shalt  }
0x55: {  	_ =	shalt  }
0x56: {  	_ =	shalt  }
0x57: {  	_ =	shalt  }
0x58: {  	_ =	shalt  }
0x59: {  	_ =	shalt  }
0x5a: {  	_ =	shalt  }
0x5b: {  	_ =	shalt  }
0x5c: {  	_ =	shalt  }
0x5d: {  	_ =	shalt  }
0x5e: {  	_ =	shalt  }
0x5f: {  	_ =	shalt  }
0x60: {  	_ =	shalt  }
0x61: {  	_ =	shalt  }
0x62: {  	_ =	shalt  }
0x63: {  	_ =	shalt  }
0x64: {  	_ =	shalt  }
0x65: {  	_ =	shalt  }
0x66: {  	_ =	shalt  }
0x67: {  	_ =	shalt  }
0x68: {  	_ =	shalt  }
0x69: {  	_ =	shalt  }
0x6a: {  	_ =	shalt  }
0x6b: {  	_ =	shalt  }
0x6c: {  	_ =	shalt  }
0x6d: {  	_ =	shalt  }
0x6e: {  	_ =	shalt  }
0x6f: {  	_ =	shalt  }
0x70: {  	_ =	shalt  }
0x71: {  	_ =	shalt  }
0x72: {  	_ =	shalt  }
0x73: {  	_ =	shalt  }
0x74: {  	_ =	shalt  }
0x75: {  	_ =	shalt  }
0x76: {  	_ =	shalt  }
0x77: {  	_ =	shalt  }
0x78: {  	_ =	shalt  }
0x79: {  	_ =	shalt  }
0x7a: {  	_ =	shalt  }
0x7b: {  	_ =	shalt  }
0x7c: {  	_ =	shalt  }
0x7d: {  	_ =	shalt  }
0x7e: {  	_ =	shalt  }
0x7f: {  	_ =	shalt  }
0x80: {  	_ =	shalt  }
0x81: {  	_ =	shalt  }
0x82: {  	_ =	shalt  }
0x83: {  	_ =	shalt  }
0x84: {  	_ =	shalt  }
0x85: {  	_ =	shalt  }
0x86: {  	_ =	shalt  }
0x87: {  	_ =	shalt  }
.Lfunc_end0:
.L_simem_size_0:
called_computation.1_lowered:
.L_overlay_start_0:
0x88: {  	s0 =	sld [smem:$0x3FD9]  }
0x89: {  	s1 =	sld [smem:$0x3FFE];
	_ =	sdelay $0x3  }
0x8a: {  	s0 =	sadd.s32 s1, s0  }
0x8b: {  	[smem:$0x3FA9] =	sst s0  }
0x8c: {  	_ = 	snop  }
0x8d: {  	s0 =	sld [smem:$0x3FD0];
	(tm) =	ssettm $0x1  }
0x8e: {  	s16 =	sld [smem:$0x3FFB];
	_ =	sdelay $0x3  }
0x8f: {  	_ =	strace s16  }
0x90: {  	s1 =	sld [smem:$0x3FFC];
	_ =	sdelay $0x3  }
0x91: {  	_ =	strace s1  }
0x92: {  	s1 =	sld [smem:$0x3FFD];
	_ =	sdelay $0x3  }
0x93: {  	_ =	strace s1  }
0x94: {  	_ =	strace $0x8FFFFFFF  }
0x95: {  	s17 =	sld [smem:$0x3FDB];
	_ =	sdelay $0x1  }
0x96: {  	s2 =	simm.s32 $_scs_section_size  }
0x97: {  	s3 =	simm.s32 $_size__tile_overlayer_lowered;
	s4 =	simm.s32 $_tile_overlayer_lowered  }
0x98: {  	s20 =	simm.s32 $0x1BFF;
	s19 =	sshll.u32 s4, $0x1;
	s1 =	sadd.s32 s2, s17  }
0x99: {  	s5 =	simm.s32 $0x0;
	s18 =	sshll.u32 s3, $0x1;
	s3 =	sadd.s32 s19, s1  }
0x9a: {  	[timem:s5], [sflag:s20] =	dma.local [hbm:s3], s18  }
0x9b: {  	_ =	swait.ge [sflag:s20], s18  }
0x9c: {  	s2 =	ssub.s32 $0x0, s18;
	[sflag:s20] =	ssyncset.done $0x0  }
0x9d: {  	[sflag:s20] =	ssyncadd.s32 s2;
	_ =	sdelay $0x1  }
0x9e: {  	s21 =	simm.s32 $0x1B8B  }
0x9f: {  	_ =	swait.ge [sflag:s21], $0x1  }
0xa0: {  	[sflag:s21] =	ssyncset.done $0x0  }
0xa1: {  	s23 =	simm.s32 $0x1B8E;
	s22 =	sld [smem:$0x3FFE];
	[sflag:s21] =	ssyncadd.s32 $0xFFFFFFFF  }
0xa2: {  	s24 =	simm.s32 $execute0_lowered;
	[smem:$0x3FD2] =	sst s23  }
0xa3: {  	s3 =	sshll.u32 s24, $0x1;
	_ =	strace $0x8000004C;
	[dreg:$0x1] =	wrdreg $0xFFFFFFFF  }
0xa4: {  	s25 =	simm.s32 $_size_execute0_lowered;
	s1 =	sadd.s32 s1, s3;
	[dreg:$0x0] =	wrdreg $0x0  }
0xa5: {  	s3 =	sshll.u32 s25, $0x1;
	[dreg:$0x2] =	wrdreg s1  }
0xa6: {  	[dreg:$0x3] =	wrdreg s3  }
0xa7: {  	[dreg:$0x4] =	wrdreg $0xC0  }
0xa8: {  	_ =	task [dreg:s5], $0x5FFFF  }
0xa9: {  	[dreg:$0x1] =	wrdreg $0xFFFFFFFF  }
0xaa: {  	[dreg:$0x0] =	wrdreg $0x60  }
0xab: {  	[dreg:$0x2] =	wrdreg s22  }
0xac: {  	[dreg:$0x3] =	wrdreg s0  }
0xad: {  	[dreg:$0x4] =	wrdreg $0x28800  }
0xae: {  	[dreg:$0x5] =	wrdreg $0x9  }
0xaf: {  	_ =	task.clear_ibuf [dreg:s5], $0x6FFFF;
	_ =	strace $0x9000004C  }
0xb0: {  	s26 =	simm.s32 $0x9;
	_ =	strace $0x8000004E  }
0xb1: {  	_ =	swait.ge [sflag:s26], $0x1  }
0xb2: {  	[sflag:s26] =	ssyncadd.s32 $0xFFFFFFFF  }
0xb3: {  	_ =	strace $0x9000004E  }
0xb4: {  	_ =	sfence  }
0xb5: {  	s28 =	sld [smem:$0x0];
	_ =	sdelay $0x1  }
0xb6: {  	s29 =	srdreg.scid  }
0xb7: {  	s30 =	sshll.u32 s29, $0xD;
	s31 =	sshrl.u32 s29, $0x2  }
0xb8: {  	s2 =	sand.u32 $0x4000, s30;
	s1 =	sand.u32 $0x1, s29;
	s0 =	sadd.s32 s31, s28  }
0xb9: {  	s1 =	sor.u32 s2, s1;
	s0 =	sshll.u32 s0, $0x11  }
0xba: {  	s0 =	sor.u32 s0, s1  }
0xbb: {  	s0 =	sadd.s32 $0x8F2B, s0  }
0xbc: {  	[sflag:s0] =	ssyncadd.remote.s32 $0x1  }
0xbd: {  	_ =	sfence.sel $0xFFFF  }
0xbe: {  	[dreg:$0x0] =	wrdreg $0xFFFFFFFF;
	(pc) =	sbr.abs _section_cstart, $3  }
0xbf: {  	[dreg:$0x1] =	wrdreg $0xFFFFFFFF  }
0xc0: {  	_ =	task.clear_ibuf [dreg:s5], $0x2FFFF;
	_ =	strace $0x9FFFFFFF  }
0xc1: {  	(tm) =	ssettm $0x7FFFFFFF  }
tec
execute0_lowered:
.L_overlay_start_1:
0x0: {  	(tag) =	ssettag $0x1  }
0x1: {  	s7 =	rddreg [dreg:$0x0]  }
0x2: {  	s5 =	rddreg [dreg:$0x1];
	s8 =	stileid.u32  }
0x3: {  	s2 =	rddreg [dreg:$0x2];
	s1 =	smul.u32 $0x4E000, s8  }
0x4: {  	s0 =	rddreg [dreg:$0x3];
	s3 =	simm.s32 $0x0  }
0x5: {  	[smem:$0x7FF] =	sst s3;
	s9 =	smul.u32 $0x2700, s8;
	s1 =	sshrl.u32 s1, $0x2  }
0x6: {  	s28 =	sshll.u32 s8, $0x6;
	_ =	strace $0x8000004D;
	s4 =	sadd.s32 s1, s2  }
0x7: {  	s6 =	sadd.s32 s5, s9;
	s1 =	sor.u32 $0x1C01, s28;
	s4 =	sshrl.u32 s4, $0x3  }
0x8: {  	[spmem:s4], [sflag:s1] =	dma.local [hbm:s6], $0x2700  }
0x9: {  	s6 =	simm.s32 $0x1  }
0xa: {  	p0 =	sne.s32 s8, $0x0;
	_ =	swait.ge [sflag:s6], $0x2700  }
0xb: {  	s10 =	sadd.s32 $0x138000, s2;
	s11 =	sadd.s32 @!p0 $0x27000, s5;
	[sflag:s6] =	ssyncset.done $0x0  }
0xc: {  	s5 =	sshrl.u32 @!p0 s10, $0x3;
	s10 =	simm.s32 @!p0 $0x1;
	[sflag:s6] =	ssyncadd.s32 $0xFFFFD900  }
0xd: {  	[spmem:s5], [sflag:s1] =	dma.local @!p0 [hbm:s11], $0x100  }
0xe: {  	s29 =	smul.u32 $0x9C4, s8;
	_ =	swait.ge @!p0 [sflag:s10], $0x100  }
0xf: {  	s12 =	sadd.s32 $0x5200, s7;
	[sflag:s10] =	ssyncset.done @!p0 $0x0  }
0x10: {  	[sflag:s10] =	ssyncadd.s32 @!p0 $0xFFFFFF00;
	s10 =	sadd.s32 s29, s12  }
0x11: {  	[bflag:$0x0] =	sbarrier.arrive $0xFFFF;
	s11 =	sadd.s32 $0x0, s10  }
0x12: {  	[tilespmem:s3], [sflag:$0x1] =	stream.linear.gather [hbm4b:s11+s3], $0x50, $0x38;
	[tilespmem:$0x16100] =	vst v63  }
0x13: {  	s8 =	smul.u32 $0x4E200, s8;
	_ =	swait.ge [sflag:s6], $0x50  }
0x14: {  	s30 =	sadd.s32 $0x2CC4800, s7;
	[sflag:s6] =	ssyncset.done $0x0  }
0x15: {  	s31 =	sadd.s32 s8, s30;
	s8 =	simm.s32 $0x80;
	[sflag:s6] =	ssyncadd.s32 $0xFFFFFFB0  }
0x16: {  	[tilespmem:s8], [sflag:$0x1] =	stream.linear.gather [hbm4b:s31+s3], $0x2800, $0x38;
	[tilespmem:$0x16100] =	vst v63  }
0x17: {  	_ =	swait.ge [sflag:s6], $0x2800  }
0x18: {  	s13 =	simm.s32 $0xA;
	[sflag:s6] =	ssyncset.done $0x0  }
0x19: {  	s14 =	simm.s32 $0x14;
	s11 =	simm.s32 $0x50;
	[sflag:s6] =	ssyncadd.s32 $0xFFFFD800  }
0x1a: {  	[spmem:s2] =	stream.indirect.scatter.add.f32 [tilespmem:s8], [sflag:$0x1], $0x80, s3, s11, $0xb8;
	[tilespmem:$0x16100] =	vst v63  }
0x1b: {  	s9 =	sadd.s32 s9, s7;
	s7 =	sadd.s32 $0x5D200, s7;
	_ =	swait.ge [sflag:s6], $0x2800  }
0x1c: {  	s9 =	sadd.s32 $0x36200, s9;
	s12 =	sadd.s32 $0x500, s31;
	[sflag:s6] =	ssyncset.done $0x0  }
.LBB2_1:
0x1d: {  	s15 =	sadd.s32 s13, s10  }
0x1e: {  	[sflag:s6] =	ssyncadd.s32 $0xFFFFD800;
	s13 =	smov.u32 s14;
	s16 =	sadd.s32 $0xA, s14  }
0x1f: {  	[tilespmem:s3], [sflag:$0x1] =	stream.linear.gather [hbm4b:s15+s3], $0x50, $0x38;
	[tilespmem:$0x16100] =	vst v63  }
0x20: {  	p1 =	sne.s32 s14, $0x9BA;
	_ =	swait.ge [sflag:s6], $0x50  }
0x21: {  	[sflag:s6] =	ssyncset.done $0x0  }
0x22: {  	[sflag:s6] =	ssyncadd.s32 $0xFFFFFFB0  }
0x23: {  	[tilespmem:s8], [sflag:$0x1] =	stream.linear.gather [hbm4b:s12+s3], $0x2800, $0x38;
	[tilespmem:$0x16100] =	vst v63  }
0x24: {  	_ =	swait.ge [sflag:s6], $0x2800  }
.Ltmp0:
0x25: {  	[sflag:s6] =	ssyncset.done $0x0;
	(pc) =	sbr.rel @p1 .LBB2_1-.Ltmp0, $4  }
0x26: {  	[sflag:s6] =	ssyncadd.s32 $0xFFFFD800  }
0x27: {  	[spmem:s2] =	stream.indirect.scatter.add.f32 [tilespmem:s8], [sflag:$0x1], $0x80, s3, s11, $0xb8;
	[tilespmem:$0x16100] =	vst v63  }
0x28: {  	_ =	swait.ge [sflag:s6], $0x2800  }
0x29: {  	s14 =	smov.u32 s16;
	s12 =	sadd.s32 $0x500, s12;
	[sflag:s6] =	ssyncset.done $0x0  }
0x2a: {  	s10 =	sadd.s32 s13, s10;
	[sflag:s6] =	ssyncadd.s32 $0xFFFFD800  }
0x2b: {  	[tilespmem:s3], [sflag:$0x1] =	stream.linear.gather [hbm4b:s10+s3], $0x50, $0x38;
	[tilespmem:$0x16100] =	vst v63  }
0x2c: {  	_ =	swait.ge [sflag:s6], $0x50  }
0x2d: {  	[sflag:s6] =	ssyncset.done $0x0  }
0x2e: {  	[sflag:s6] =	ssyncadd.s32 $0xFFFFFFB0  }
0x2f: {  	[tilespmem:s8], [sflag:$0x1] =	stream.linear.gather [hbm4b:s12+s3], $0x2800, $0x38;
	[tilespmem:$0x16100] =	vst v63  }
0x30: {  	_ =	swait.ge [sflag:s6], $0x2800  }
0x31: {  	[sflag:s6] =	ssyncset.done $0x0  }
0x32: {  	[sflag:s6] =	ssyncadd.s32 $0xFFFFD800  }
0x33: {  	[spmem:s2] =	stream.indirect.scatter.add.f32 [tilespmem:s8], [sflag:$0x1], $0x80, s3, s11, $0xb8;
	[tilespmem:$0x16100] =	vst v63  }
0x34: {  	_ =	swait.ge [sflag:s6], $0x2800  }
0x35: {  	[sflag:s6] =	ssyncset.done $0x0  }
0x36: {  	[sflag:s6] =	ssyncadd.s32 $0xFFFFD800  }
0x37: {  	s31 =	simm.s32 $0x1;
	[bflag:$0x0] =	sbarrier.arrive $0xFFFF  }
0x38: {  	[hbm:s9], [sflag:s1] =	dma.local [spmem:s4], $0x2700  }
0x39: {  	_ =	swait.ge [sflag:s31], $0x2700  }
0x3a: {  	[sflag:s31] =	ssyncset.done $0x0  }
0x3b: {  	[sflag:s31] =	ssyncadd.s32 $0xFFFFD900  }
0x3c: {  	_ =	sfence.sel @p0 $0x180000  }
0x3d: {  	[bflag:$0x0] =	sbarrier.arrive @p0 $0xFFFF  }
0x3e: {  	_ =	strace @p0 $0x9000004D  }
0x3f: {  	[bflag:$0x2] =	sbarrier.arrive @p0 $0xFFFF  }
0x40: {  	[hbm:s7], [sflag:s1] =	dma.local @!p0 [spmem:s5], $0x100  }
0x41: {  	s1 =	simm.s32 @!p0 $0x1  }
0x42: {  	_ =	swait.ge @!p0 [sflag:s1], $0x100  }
0x43: {  	[sflag:s1] =	ssyncset.done @!p0 $0x0  }
0x44: {  	[sflag:s1] =	ssyncadd.s32 @!p0 $0xFFFFFF00  }
0x45: {  	_ =	sfence.sel @!p0 $0x180000  }
0x46: {  	[bflag:$0x0] =	sbarrier.arrive @!p0 $0xFFFF  }
0x47: {  	_ =	strace @!p0 $0x9000004D  }
0x48: {  	s0 =	sadd.s32 @!p0 $0x100000, s0;
	[bflag:$0x2] =	sbarrier.arrive @!p0 $0xFFFF  }
0x49: {  	[sflag:s0] =	ssyncadd.tile.s32 @!p0 $0x1;
	_ =	shalt  }
.Lfunc_end2:
_tile_overlayer_lowered:
.L_overlay_start_2:
0x4a: {  	(tag) =	ssettag $0x2  }
0x4b: {  	s0 =	rddreg [dreg:$0x0];
	s2 =	stileid.u32  }
0x4c: {  	s1 =	rddreg [dreg:$0x1];
	p0 =	sne.s32 s2, $0x0  }
0x4d: {  	s3 =	rddreg [dreg:$0x2];
	[bflag:$0x3] =	sbarrier.arrive $0xFFFF;
	s2 =	simm.s32 @!p0 $0x1C01  }
0x4e: {  	[timem:s3], [sflag:s2] =	dma.local @!p0 [hbm:s0], s1  }
0x4f: {  	s0 =	simm.s32 @!p0 $0x1  }
0x50: {  	_ =	swait.ge @!p0 [sflag:s0], s1  }
0x51: {  	s1 =	ssub.s32 @!p0 $0x0, s1;
	[sflag:s0] =	ssyncset.done @!p0 $0x0  }
0x52: {  	[sflag:s0] =	ssyncadd.s32 @!p0 s1  }
0x53: {  	[bflag:$0x3] =	sbarrier.arrive $0xFFFF  }
0x54: {  	_ =	shalt  }

// kernel: kernel.14.cloned.1.call-start
scs
__scs_entry_jumppad:
0x0: {  	(pc) =	sbr.rel $0x88, $3  }
0x1: {  	(tag) =	ssettag $0x0;
	lr =	simm.s32 $0x1  }
0x2: {  	[smem:$0x3F82] =	sst lr;
	_ =	strace $0xD0000000  }
0x3: {  	_ = 	snop  }
0x4: {  	_ = 	snop  }
0x5: {  	_ = 	snop  }
0x6: {  	_ = 	snop  }
0x7: {  	_ = 	snop  }
__scs_overlays_trampoline_lowered:
0x8: {  	[smem:$0x3F91] =	sst s0  }
0x9: {  	[smem:$0x3F92] =	sst s1  }
0xa: {  	[smem:$0x3F93] =	sst s2  }
0xb: {  	[smem:$0x3F94] =	sst s3  }
0xc: {  	[smem:$0x3F95] =	sst s4  }
0xd: {  	[smem:$0x3F96] =	sst s5  }
0xe: {  	[smem:$0x3F97] =	sst s6  }
0xf: {  	[smem:$0x3F98] =	sst s7  }
0x10: {  	[smem:$0x3F99] =	sst s8  }
0x11: {  	[smem:$0x3F9A] =	sst s9;
	s0 =	simm.s32 @!p0 $0x0  }
0x12: {  	s1 =	sld [smem:$0x3F80];
	s0 =	simm.s32 @p0 $0x1  }
0x13: {  	[smem:$0x3F9B] =	sst s0;
	s0 =	simm.s32 @!p1 $0x0  }
0x14: {  	s2 =	sld [smem:$0x3F7F];
	s0 =	simm.s32 @p1 $0x1  }
0x15: {  	[smem:$0x3F9C] =	sst s0;
	s0 =	simm.s32 @!p2 $0x0  }
0x16: {  	s3 =	sld [smem:$0x3FDB];
	s0 =	simm.s32 @p2 $0x1  }
0x17: {  	s4 =	simm.s32 $0x1BF5;
	[smem:$0x3F9E] =	sst s0  }
0x18: {  	s0 =	sld [smem:$0x3F81];
	_ =	swait.ge [sflag:s4], $0x0  }
0x19: {  	s7 =	sld [smem:$0x3F82]  }
0x1a: {  	s8 =	sadd.s32 $0xFFFFE003, lr  }
0x1b: {  	s9 =	sadd.s32 $0xFFFFFEF7, lr;
	s5 =	simm.s32 $0xFFFFFFFF;
	p2 =	slt.u32 s8, $0xFFFFF086  }
0x1c: {  	p1 =	slt.u32 s9, $0xF7A;
	s5 =	simm.s32 @!p2 $0x0  }
0x1d: {  	s5 =	simm.s32 @p1 $0x1;
	p0 =	seq.s32 s7, s2  }
0x1e: {  	s7 =	smul.u32 @!p0 $0xF7A, s2;
	p2 =	seq.s32 @!p0 s5, $0x0  }
0x1f: {  	s9 =	smul.u32 $0xF7A, s1;
	s8 =	simm.s32 @!p0 $0x1BF5;
	p2 =	por !p2, p0  }
0x20: {  	[sflag:s8] =	ssyncset.s32 @!p0 $0xFFFFF086;
	s6 =	sadd.s32 @!p0 s3, s7;
	s7 =	simm.s32 @!p0 $0x108  }
0x21: {  	s3 =	sadd.s32 s3, s9;
	s6 =	sadd.s32 @!p0 $0x88, s6;
	s7 =	simm.s32 @p2 $0x1082  }
0x22: {  	[simem:s7], [sflag:s8] =	dma.local @!p0 [hbm:s6], $0xF7A  }
0x23: {  	s9 =	sor.u32 $0xD0000000, s2;
	s6 =	simm.s32 $0x108;
	_ =	swait.ge @!p0 [sflag:s8], $0x0  }
0x24: {  	s3 =	sadd.s32 $0x88, s3;
	s6 =	simm.s32 @!p1 $0x1082;
	[sflag:s4] =	ssyncset.s32 $0xFFFFF086  }
0x25: {  	[simem:s6], [sflag:s4] =	dma.local [hbm:s3], $0xF7A  }
0x26: {  	[smem:$0x3F82] =	sst s1;
	(tag) =	ssettag s2;
	_ =	strace s9  }
0x27: {  	s1 =	sld [smem:$0x3F92]  }
0x28: {  	s2 =	sld [smem:$0x3F93]  }
0x29: {  	s4 =	sld [smem:$0x3F95]  }
0x2a: {  	p0 =	seq.s32 s5, $0x0;
	s5 =	sld [smem:$0x3F96]  }
0x2b: {  	s6 =	sld [smem:$0x3F97]  }
0x2c: {  	s7 =	sld [smem:$0x3F98]  }
0x2d: {  	s3 =	simm.s32 $0x108;
	s8 =	sld [smem:$0x3F99]  }
0x2e: {  	s3 =	simm.s32 @!p0 $0x1082;
	s9 =	sld [smem:$0x3F9A]  }
0x2f: {  	lr =	sadd.s32 s0, s3;
	s0 =	sld [smem:$0x3F91]  }
0x30: {  	s3 =	sld [smem:$0x3F94]  }
0x31: {  	[smem:$0x3F9D] =	sst s10  }
0x32: {  	s10 =	sld [smem:$0x3F9B];
	_ =	sdelay $0x3  }
0x33: {  	p0 =	seq.s32 s10, $0x1;
	s10 =	sld [smem:$0x3F9D];
	_ =	sdelay $0x3  }
0x34: {  	[smem:$0x3F9D] =	sst s10  }
0x35: {  	s10 =	sld [smem:$0x3F9C];
	_ =	sdelay $0x3  }
0x36: {  	p1 =	seq.s32 s10, $0x1;
	s10 =	sld [smem:$0x3F9D];
	_ =	sdelay $0x3  }
0x37: {  	[smem:$0x3F9D] =	sst s10  }
0x38: {  	s10 =	sld [smem:$0x3F9E]  }
0x39: {  	_ = 	snop;
	(pc) =	sbr.ind lr, $3  }
0x3a: {  	_ = 	snop  }
0x3b: {  	_ = 	snop  }
0x3c: {  	p2 =	seq.s32 s10, $0x1;
	s10 =	sld [smem:$0x3F9D]  }
0x3d: {  	_ =	shalt  }
0x3e: {  	_ =	shalt  }
0x3f: {  	_ =	shalt  }
0x40: {  	_ =	shalt  }
0x41: {  	_ =	shalt  }
0x42: {  	_ =	shalt  }
0x43: {  	_ =	shalt  }
0x44: {  	_ =	shalt  }
0x45: {  	_ =	shalt  }
0x46: {  	_ =	shalt  }
0x47: {  	_ =	shalt  }
0x48: {  	_ =	shalt  }
0x49: {  	_ =	shalt  }
0x4a: {  	_ =	shalt  }
0x4b: {  	_ =	shalt  }
0x4c: {  	_ =	shalt  }
0x4d: {  	_ =	shalt  }
0x4e: {  	_ =	shalt  }
0x4f: {  	_ =	shalt  }
0x50: {  	_ =	shalt  }
0x51: {  	_ =	shalt  }
0x52: {  	_ =	shalt  }
0x53: {  	_ =	shalt  }
0x54: {  	_ =	shalt  }
0x55: {  	_ =	shalt  }
0x56: {  	_ =	shalt  }
0x57: {  	_ =	shalt  }
0x58: {  	_ =	shalt  }
0x59: {  	_ =	shalt  }
0x5a: {  	_ =	shalt  }
0x5b: {  	_ =	shalt  }
0x5c: {  	_ =	shalt  }
0x5d: {  	_ =	shalt  }
0x5e: {  	_ =	shalt  }
0x5f: {  	_ =	shalt  }
0x60: {  	_ =	shalt  }
0x61: {  	_ =	shalt  }
0x62: {  	_ =	shalt  }
0x63: {  	_ =	shalt  }
0x64: {  	_ =	shalt  }
0x65: {  	_ =	shalt  }
0x66: {  	_ =	shalt  }
0x67: {  	_ =	shalt  }
0x68: {  	_ =	shalt  }
0x69: {  	_ =	shalt  }
0x6a: {  	_ =	shalt  }
0x6b: {  	_ =	shalt  }
0x6c: {  	_ =	shalt  }
0x6d: {  	_ =	shalt  }
0x6e: {  	_ =	shalt  }
0x6f: {  	_ =	shalt  }
0x70: {  	_ =	shalt  }
0x71: {  	_ =	shalt  }
0x72: {  	_ =	shalt  }
0x73: {  	_ =	shalt  }
0x74: {  	_ =	shalt  }
0x75: {  	_ =	shalt  }
0x76: {  	_ =	shalt  }
0x77: {  	_ =	shalt  }
0x78: {  	_ =	shalt  }
0x79: {  	_ =	shalt  }
0x7a: {  	_ =	shalt  }
0x7b: {  	_ =	shalt  }
0x7c: {  	_ =	shalt  }
0x7d: {  	_ =	shalt  }
0x7e: {  	_ =	shalt  }
0x7f: {  	_ =	shalt  }
0x80: {  	_ =	shalt  }
0x81: {  	_ =	shalt  }
0x82: {  	_ =	shalt  }
0x83: {  	_ =	shalt  }
0x84: {  	_ =	shalt  }
0x85: {  	_ =	shalt  }
0x86: {  	_ =	shalt  }
0x87: {  	_ =	shalt  }
.Lfunc_end0:
.L_simem_size_0:
called_computation.2_lowered:
.L_overlay_start_0:
0x88: {  	s0 =	sld [smem:$0x3FD9]  }
0x89: {  	s1 =	sld [smem:$0x3FFE];
	_ =	sdelay $0x3  }
0x8a: {  	s0 =	sadd.s32 s1, s0  }
0x8b: {  	[smem:$0x3FA9] =	sst s0  }
0x8c: {  	_ = 	snop  }
0x8d: {  	s0 =	sld [smem:$0x3FD0];
	(tm) =	ssettm $0x1  }
0x8e: {  	s16 =	sld [smem:$0x3FFB];
	_ =	sdelay $0x3  }
0x8f: {  	_ =	strace s16  }
0x90: {  	s1 =	sld [smem:$0x3FFC];
	_ =	sdelay $0x3  }
0x91: {  	_ =	strace s1  }
0x92: {  	s1 =	sld [smem:$0x3FFD];
	_ =	sdelay $0x3  }
0x93: {  	_ =	strace s1  }
0x94: {  	_ =	strace $0x8FFFFFFF  }
0x95: {  	s17 =	sld [smem:$0x3FDB];
	_ =	sdelay $0x1  }
0x96: {  	s2 =	simm.s32 $_scs_section_size  }
0x97: {  	s3 =	simm.s32 $_size__tile_overlayer_lowered;
	s4 =	simm.s32 $_tile_overlayer_lowered  }
0x98: {  	s20 =	simm.s32 $0x1BFF;
	s19 =	sshll.u32 s4, $0x1;
	s1 =	sadd.s32 s2, s17  }
0x99: {  	s5 =	simm.s32 $0x0;
	s18 =	sshll.u32 s3, $0x1;
	s3 =	sadd.s32 s19, s1  }
0x9a: {  	[timem:s5], [sflag:s20] =	dma.local [hbm:s3], s18  }
0x9b: {  	_ =	swait.ge [sflag:s20], s18  }
0x9c: {  	s2 =	ssub.s32 $0x0, s18;
	[sflag:s20] =	ssyncset.done $0x0  }
0x9d: {  	[sflag:s20] =	ssyncadd.s32 s2;
	_ =	sdelay $0x1  }
0x9e: {  	s21 =	simm.s32 $0x1B8B  }
0x9f: {  	_ =	swait.ge [sflag:s21], $0x1  }
0xa0: {  	[sflag:s21] =	ssyncset.done $0x0  }
0xa1: {  	s23 =	simm.s32 $0x1B8E;
	s22 =	sld [smem:$0x3FFE];
	[sflag:s21] =	ssyncadd.s32 $0xFFFFFFFF  }
0xa2: {  	s24 =	simm.s32 $execute0_lowered;
	[smem:$0x3FD2] =	sst s23  }
0xa3: {  	s3 =	sshll.u32 s24, $0x1;
	_ =	strace $0x80000049;
	[dreg:$0x1] =	wrdreg $0xFFFFFFFF  }
0xa4: {  	s25 =	simm.s32 $_size_execute0_lowered;
	s1 =	sadd.s32 s1, s3;
	[dreg:$0x0] =	wrdreg $0x0  }
0xa5: {  	s3 =	sshll.u32 s25, $0x1;
	[dreg:$0x2] =	wrdreg s1  }
0xa6: {  	[dreg:$0x3] =	wrdreg s3  }
0xa7: {  	[dreg:$0x4] =	wrdreg $0xC0  }
0xa8: {  	_ =	task [dreg:s5], $0x5FFFF  }
0xa9: {  	[dreg:$0x1] =	wrdreg $0xFFFFFFFF  }
0xaa: {  	[dreg:$0x0] =	wrdreg $0x60  }
0xab: {  	[dreg:$0x2] =	wrdreg s22  }
0xac: {  	[dreg:$0x3] =	wrdreg s0  }
0xad: {  	[dreg:$0x4] =	wrdreg $0x28800  }
0xae: {  	[dreg:$0x5] =	wrdreg $0xA  }
0xaf: {  	_ =	task.clear_ibuf [dreg:s5], $0x6FFFF;
	_ =	strace $0x90000049  }
0xb0: {  	s26 =	simm.s32 $0xA;
	_ =	strace $0x8000004B  }
0xb1: {  	_ =	swait.ge [sflag:s26], $0x1  }
0xb2: {  	[sflag:s26] =	ssyncadd.s32 $0xFFFFFFFF  }
0xb3: {  	_ =	strace $0x9000004B  }
0xb4: {  	_ =	sfence  }
0xb5: {  	s28 =	sld [smem:$0x0];
	_ =	sdelay $0x1  }
0xb6: {  	s29 =	srdreg.scid  }
0xb7: {  	s30 =	sshll.u32 s29, $0xD;
	s31 =	sshrl.u32 s29, $0x2  }
0xb8: {  	s2 =	sand.u32 $0x4000, s30;
	s1 =	sand.u32 $0x1, s29;
	s0 =	sadd.s32 s31, s28  }
0xb9: {  	s1 =	sor.u32 s2, s1;
	s0 =	sshll.u32 s0, $0x11  }
0xba: {  	s0 =	sor.u32 s0, s1  }
0xbb: {  	s0 =	sadd.s32 $0x8F2B, s0  }
0xbc: {  	[sflag:s0] =	ssyncadd.remote.s32 $0x1  }
0xbd: {  	_ =	sfence.sel $0xFFFF  }
0xbe: {  	[dreg:$0x0] =	wrdreg $0xFFFFFFFF;
	(pc) =	sbr.abs _section_cstart, $3  }
0xbf: {  	[dreg:$0x1] =	wrdreg $0xFFFFFFFF  }
0xc0: {  	_ =	task.clear_ibuf [dreg:s5], $0x2FFFF;
	_ =	strace $0x9FFFFFFF  }
0xc1: {  	(tm) =	ssettm $0x7FFFFFFF  }
tec
execute0_lowered:
.L_overlay_start_1:
0x0: {  	(tag) =	ssettag $0x1  }
0x1: {  	s7 =	rddreg [dreg:$0x0]  }
0x2: {  	s5 =	rddreg [dreg:$0x1];
	s8 =	stileid.u32  }
0x3: {  	s2 =	rddreg [dreg:$0x2];
	s1 =	smul.u32 $0x4E000, s8  }
0x4: {  	s0 =	rddreg [dreg:$0x3];
	s3 =	simm.s32 $0x0  }
0x5: {  	[smem:$0x7FF] =	sst s3;
	s9 =	smul.u32 $0x2700, s8;
	s1 =	sshrl.u32 s1, $0x2  }
0x6: {  	s28 =	sshll.u32 s8, $0x6;
	_ =	strace $0x8000004A;
	s4 =	sadd.s32 s1, s2  }
0x7: {  	s6 =	sadd.s32 s5, s9;
	s1 =	sor.u32 $0x1C01, s28;
	s4 =	sshrl.u32 s4, $0x3  }
0x8: {  	[spmem:s4], [sflag:s1] =	dma.local [hbm:s6], $0x2700  }
0x9: {  	s6 =	simm.s32 $0x1  }
0xa: {  	p0 =	sne.s32 s8, $0x0;
	_ =	swait.ge [sflag:s6], $0x2700  }
0xb: {  	s10 =	sadd.s32 $0x138000, s2;
	s11 =	sadd.s32 @!p0 $0x27000, s5;
	[sflag:s6] =	ssyncset.done $0x0  }
0xc: {  	s5 =	sshrl.u32 @!p0 s10, $0x3;
	s10 =	simm.s32 @!p0 $0x1;
	[sflag:s6] =	ssyncadd.s32 $0xFFFFD900  }
0xd: {  	[spmem:s5], [sflag:s1] =	dma.local @!p0 [hbm:s11], $0x100  }
0xe: {  	s29 =	smul.u32 $0x9C4, s8;
	_ =	swait.ge @!p0 [sflag:s10], $0x100  }
0xf: {  	s12 =	sadd.s32 $0x5200, s7;
	[sflag:s10] =	ssyncset.done @!p0 $0x0  }
0x10: {  	[sflag:s10] =	ssyncadd.s32 @!p0 $0xFFFFFF00;
	s10 =	sadd.s32 s29, s12  }
0x11: {  	[bflag:$0x0] =	sbarrier.arrive $0xFFFF;
	s11 =	sadd.s32 $0x0, s10  }
0x12: {  	[tilespmem:s3], [sflag:$0x1] =	stream.linear.gather [hbm4b:s11+s3], $0x50, $0x38;
	[tilespmem:$0x16100] =	vst v63  }
0x13: {  	s8 =	smul.u32 $0x4E200, s8;
	_ =	swait.ge [sflag:s6], $0x50  }
0x14: {  	s30 =	sadd.s32 $0x27E2800, s7;
	[sflag:s6] =	ssyncset.done $0x0  }
0x15: {  	s31 =	sadd.s32 s8, s30;
	s8 =	simm.s32 $0x80;
	[sflag:s6] =	ssyncadd.s32 $0xFFFFFFB0  }
0x16: {  	[tilespmem:s8], [sflag:$0x1] =	stream.linear.gather [hbm4b:s31+s3], $0x2800, $0x38;
	[tilespmem:$0x16100] =	vst v63  }
0x17: {  	_ =	swait.ge [sflag:s6], $0x2800  }
0x18: {  	s13 =	simm.s32 $0xA;
	[sflag:s6] =	ssyncset.done $0x0  }
0x19: {  	s14 =	simm.s32 $0x14;
	s11 =	simm.s32 $0x50;
	[sflag:s6] =	ssyncadd.s32 $0xFFFFD800  }
0x1a: {  	[spmem:s2] =	stream.indirect.scatter.add.f32 [tilespmem:s8], [sflag:$0x1], $0x80, s3, s11, $0xb8;
	[tilespmem:$0x16100] =	vst v63  }
0x1b: {  	s9 =	sadd.s32 s9, s7;
	s7 =	sadd.s32 $0x36000, s7;
	_ =	swait.ge [sflag:s6], $0x2800  }
0x1c: {  	s9 =	sadd.s32 $0xF000, s9;
	s12 =	sadd.s32 $0x500, s31;
	[sflag:s6] =	ssyncset.done $0x0  }
.LBB2_1:
0x1d: {  	s15 =	sadd.s32 s13, s10  }
0x1e: {  	[sflag:s6] =	ssyncadd.s32 $0xFFFFD800;
	s13 =	smov.u32 s14;
	s16 =	sadd.s32 $0xA, s14  }
0x1f: {  	[tilespmem:s3], [sflag:$0x1] =	stream.linear.gather [hbm4b:s15+s3], $0x50, $0x38;
	[tilespmem:$0x16100] =	vst v63  }
0x20: {  	p1 =	sne.s32 s14, $0x9BA;
	_ =	swait.ge [sflag:s6], $0x50  }
0x21: {  	[sflag:s6] =	ssyncset.done $0x0  }
0x22: {  	[sflag:s6] =	ssyncadd.s32 $0xFFFFFFB0  }
0x23: {  	[tilespmem:s8], [sflag:$0x1] =	stream.linear.gather [hbm4b:s12+s3], $0x2800, $0x38;
	[tilespmem:$0x16100] =	vst v63  }
0x24: {  	_ =	swait.ge [sflag:s6], $0x2800  }
.Ltmp0:
0x25: {  	[sflag:s6] =	ssyncset.done $0x0;
	(pc) =	sbr.rel @p1 .LBB2_1-.Ltmp0, $4  }
0x26: {  	[sflag:s6] =	ssyncadd.s32 $0xFFFFD800  }
0x27: {  	[spmem:s2] =	stream.indirect.scatter.add.f32 [tilespmem:s8], [sflag:$0x1], $0x80, s3, s11, $0xb8;
	[tilespmem:$0x16100] =	vst v63  }
0x28: {  	_ =	swait.ge [sflag:s6], $0x2800  }
0x29: {  	s14 =	smov.u32 s16;
	s12 =	sadd.s32 $0x500, s12;
	[sflag:s6] =	ssyncset.done $0x0  }
0x2a: {  	s10 =	sadd.s32 s13, s10;
	[sflag:s6] =	ssyncadd.s32 $0xFFFFD800  }
0x2b: {  	[tilespmem:s3], [sflag:$0x1] =	stream.linear.gather [hbm4b:s10+s3], $0x50, $0x38;
	[tilespmem:$0x16100] =	vst v63  }
0x2c: {  	_ =	swait.ge [sflag:s6], $0x50  }
0x2d: {  	[sflag:s6] =	ssyncset.done $0x0  }
0x2e: {  	[sflag:s6] =	ssyncadd.s32 $0xFFFFFFB0  }
0x2f: {  	[tilespmem:s8], [sflag:$0x1] =	stream.linear.gather [hbm4b:s12+s3], $0x2800, $0x38;
	[tilespmem:$0x16100] =	vst v63  }
0x30: {  	_ =	swait.ge [sflag:s6], $0x2800  }
0x31: {  	[sflag:s6] =	ssyncset.done $0x0  }
0x32: {  	[sflag:s6] =	ssyncadd.s32 $0xFFFFD800  }
0x33: {  	[spmem:s2] =	stream.indirect.scatter.add.f32 [tilespmem:s8], [sflag:$0x1], $0x80, s3, s11, $0xb8;
	[tilespmem:$0x16100] =	vst v63  }
0x34: {  	_ =	swait.ge [sflag:s6], $0x2800  }
0x35: {  	[sflag:s6] =	ssyncset.done $0x0  }
0x36: {  	[sflag:s6] =	ssyncadd.s32 $0xFFFFD800  }
0x37: {  	s31 =	simm.s32 $0x1;
	[bflag:$0x0] =	sbarrier.arrive $0xFFFF  }
0x38: {  	[hbm:s9], [sflag:s1] =	dma.local [spmem:s4], $0x2700  }
0x39: {  	_ =	swait.ge [sflag:s31], $0x2700  }
0x3a: {  	[sflag:s31] =	ssyncset.done $0x0  }
0x3b: {  	[sflag:s31] =	ssyncadd.s32 $0xFFFFD900  }
0x3c: {  	_ =	sfence.sel @p0 $0x180000  }
0x3d: {  	[bflag:$0x0] =	sbarrier.arrive @p0 $0xFFFF  }
0x3e: {  	_ =	strace @p0 $0x9000004A  }
0x3f: {  	[bflag:$0x2] =	sbarrier.arrive @p0 $0xFFFF  }
0x40: {  	[hbm:s7], [sflag:s1] =	dma.local @!p0 [spmem:s5], $0x100  }
0x41: {  	s1 =	simm.s32 @!p0 $0x1  }
0x42: {  	_ =	swait.ge @!p0 [sflag:s1], $0x100  }
0x43: {  	[sflag:s1] =	ssyncset.done @!p0 $0x0  }
0x44: {  	[sflag:s1] =	ssyncadd.s32 @!p0 $0xFFFFFF00  }
0x45: {  	_ =	sfence.sel @!p0 $0x180000  }
0x46: {  	[bflag:$0x0] =	sbarrier.arrive @!p0 $0xFFFF  }
0x47: {  	_ =	strace @!p0 $0x9000004A  }
0x48: {  	s0 =	sadd.s32 @!p0 $0x100000, s0;
	[bflag:$0x2] =	sbarrier.arrive @!p0 $0xFFFF  }
0x49: {  	[sflag:s0] =	ssyncadd.tile.s32 @!p0 $0x1;
	_ =	shalt  }
.Lfunc_end2:
_tile_overlayer_lowered:
.L_overlay_start_2:
0x4a: {  	(tag) =	ssettag $0x2  }
0x4b: {  	s0 =	rddreg [dreg:$0x0];
	s2 =	stileid.u32  }
0x4c: {  	s1 =	rddreg [dreg:$0x1];
	p0 =	sne.s32 s2, $0x0  }
0x4d: {  	s3 =	rddreg [dreg:$0x2];
	[bflag:$0x3] =	sbarrier.arrive $0xFFFF;
	s2 =	simm.s32 @!p0 $0x1C01  }
0x4e: {  	[timem:s3], [sflag:s2] =	dma.local @!p0 [hbm:s0], s1  }
0x4f: {  	s0 =	simm.s32 @!p0 $0x1  }
0x50: {  	_ =	swait.ge @!p0 [sflag:s0], s1  }
0x51: {  	s1 =	ssub.s32 @!p0 $0x0, s1;
	[sflag:s0] =	ssyncset.done @!p0 $0x0  }
0x52: {  	[sflag:s0] =	ssyncadd.s32 @!p0 s1  }
0x53: {  	[bflag:$0x3] =	sbarrier.arrive $0xFFFF  }
0x54: {  	_ =	shalt  }

// kernel: kernel.8.cloned.1.call-start
scs
__scs_entry_jumppad:
0x0: {  	(pc) =	sbr.rel $0x88, $3  }
0x1: {  	(tag) =	ssettag $0x0;
	lr =	simm.s32 $0x1  }
0x2: {  	[smem:$0x3F82] =	sst lr;
	_ =	strace $0xD0000000  }
0x3: {  	_ = 	snop  }
0x4: {  	_ = 	snop  }
0x5: {  	_ = 	snop  }
0x6: {  	_ = 	snop  }
0x7: {  	_ = 	snop  }
__scs_overlays_trampoline_lowered:
0x8: {  	[smem:$0x3F91] =	sst s0  }
0x9: {  	[smem:$0x3F92] =	sst s1  }
0xa: {  	[smem:$0x3F93] =	sst s2  }
0xb: {  	[smem:$0x3F94] =	sst s3  }
0xc: {  	[smem:$0x3F95] =	sst s4  }
0xd: {  	[smem:$0x3F96] =	sst s5  }
0xe: {  	[smem:$0x3F97] =	sst s6  }
0xf: {  	[smem:$0x3F98] =	sst s7  }
0x10: {  	[smem:$0x3F99] =	sst s8  }
0x11: {  	[smem:$0x3F9A] =	sst s9;
	s0 =	simm.s32 @!p0 $0x0  }
0x12: {  	s1 =	sld [smem:$0x3F80];
	s0 =	simm.s32 @p0 $0x1  }
0x13: {  	[smem:$0x3F9B] =	sst s0;
	s0 =	simm.s32 @!p1 $0x0  }
0x14: {  	s2 =	sld [smem:$0x3F7F];
	s0 =	simm.s32 @p1 $0x1  }
0x15: {  	[smem:$0x3F9C] =	sst s0;
	s0 =	simm.s32 @!p2 $0x0  }
0x16: {  	s3 =	sld [smem:$0x3FDB];
	s0 =	simm.s32 @p2 $0x1  }
0x17: {  	s4 =	simm.s32 $0x1BF5;
	[smem:$0x3F9E] =	sst s0  }
0x18: {  	s0 =	sld [smem:$0x3F81];
	_ =	swait.ge [sflag:s4], $0x0  }
0x19: {  	s7 =	sld [smem:$0x3F82]  }
0x1a: {  	s8 =	sadd.s32 $0xFFFFE003, lr  }
0x1b: {  	s9 =	sadd.s32 $0xFFFFFEF7, lr;
	s5 =	simm.s32 $0xFFFFFFFF;
	p2 =	slt.u32 s8, $0xFFFFF086  }
0x1c: {  	p1 =	slt.u32 s9, $0xF7A;
	s5 =	simm.s32 @!p2 $0x0  }
0x1d: {  	s5 =	simm.s32 @p1 $0x1;
	p0 =	seq.s32 s7, s2  }
0x1e: {  	s7 =	smul.u32 @!p0 $0xF7A, s2;
	p2 =	seq.s32 @!p0 s5, $0x0  }
0x1f: {  	s9 =	smul.u32 $0xF7A, s1;
	s8 =	simm.s32 @!p0 $0x1BF5;
	p2 =	por !p2, p0  }
0x20: {  	[sflag:s8] =	ssyncset.s32 @!p0 $0xFFFFF086;
	s6 =	sadd.s32 @!p0 s3, s7;
	s7 =	simm.s32 @!p0 $0x108  }
0x21: {  	s3 =	sadd.s32 s3, s9;
	s6 =	sadd.s32 @!p0 $0x88, s6;
	s7 =	simm.s32 @p2 $0x1082  }
0x22: {  	[simem:s7], [sflag:s8] =	dma.local @!p0 [hbm:s6], $0xF7A  }
0x23: {  	s9 =	sor.u32 $0xD0000000, s2;
	s6 =	simm.s32 $0x108;
	_ =	swait.ge @!p0 [sflag:s8], $0x0  }
0x24: {  	s3 =	sadd.s32 $0x88, s3;
	s6 =	simm.s32 @!p1 $0x1082;
	[sflag:s4] =	ssyncset.s32 $0xFFFFF086  }
0x25: {  	[simem:s6], [sflag:s4] =	dma.local [hbm:s3], $0xF7A  }
0x26: {  	[smem:$0x3F82] =	sst s1;
	(tag) =	ssettag s2;
	_ =	strace s9  }
0x27: {  	s1 =	sld [smem:$0x3F92]  }
0x28: {  	s2 =	sld [smem:$0x3F93]  }
0x29: {  	s4 =	sld [smem:$0x3F95]  }
0x2a: {  	p0 =	seq.s32 s5, $0x0;
	s5 =	sld [smem:$0x3F96]  }
0x2b: {  	s6 =	sld [smem:$0x3F97]  }
0x2c: {  	s7 =	sld [smem:$0x3F98]  }
0x2d: {  	s3 =	simm.s32 $0x108;
	s8 =	sld [smem:$0x3F99]  }
0x2e: {  	s3 =	simm.s32 @!p0 $0x1082;
	s9 =	sld [smem:$0x3F9A]  }
0x2f: {  	lr =	sadd.s32 s0, s3;
	s0 =	sld [smem:$0x3F91]  }
0x30: {  	s3 =	sld [smem:$0x3F94]  }
0x31: {  	[smem:$0x3F9D] =	sst s10  }
0x32: {  	s10 =	sld [smem:$0x3F9B];
	_ =	sdelay $0x3  }
0x33: {  	p0 =	seq.s32 s10, $0x1;
	s10 =	sld [smem:$0x3F9D];
	_ =	sdelay $0x3  }
0x34: {  	[smem:$0x3F9D] =	sst s10  }
0x35: {  	s10 =	sld [smem:$0x3F9C];
	_ =	sdelay $0x3  }
0x36: {  	p1 =	seq.s32 s10, $0x1;
	s10 =	sld [smem:$0x3F9D];
	_ =	sdelay $0x3  }
0x37: {  	[smem:$0x3F9D] =	sst s10  }
0x38: {  	s10 =	sld [smem:$0x3F9E]  }
0x39: {  	_ = 	snop;
	(pc) =	sbr.ind lr, $3  }
0x3a: {  	_ = 	snop  }
0x3b: {  	_ = 	snop  }
0x3c: {  	p2 =	seq.s32 s10, $0x1;
	s10 =	sld [smem:$0x3F9D]  }
0x3d: {  	_ =	shalt  }
0x3e: {  	_ =	shalt  }
0x3f: {  	_ =	shalt  }
0x40: {  	_ =	shalt  }
0x41: {  	_ =	shalt  }
0x42: {  	_ =	shalt  }
0x43: {  	_ =	shalt  }
0x44: {  	_ =	shalt  }
0x45: {  	_ =	shalt  }
0x46: {  	_ =	shalt  }
0x47: {  	_ =	shalt  }
0x48: {  	_ =	shalt  }
0x49: {  	_ =	shalt  }
0x4a: {  	_ =	shalt  }
0x4b: {  	_ =	shalt  }
0x4c: {  	_ =	shalt  }
0x4d: {  	_ =	shalt  }
0x4e: {  	_ =	shalt  }
0x4f: {  	_ =	shalt  }
0x50: {  	_ =	shalt  }
0x51: {  	_ =	shalt  }
0x52: {  	_ =	shalt  }
0x53: {  	_ =	shalt  }
0x54: {  	_ =	shalt  }
0x55: {  	_ =	shalt  }
0x56: {  	_ =	shalt  }
0x57: {  	_ =	shalt  }
0x58: {  	_ =	shalt  }
0x59: {  	_ =	shalt  }
0x5a: {  	_ =	shalt  }
0x5b: {  	_ =	shalt  }
0x5c: {  	_ =	shalt  }
0x5d: {  	_ =	shalt  }
0x5e: {  	_ =	shalt  }
0x5f: {  	_ =	shalt  }
0x60: {  	_ =	shalt  }
0x61: {  	_ =	shalt  }
0x62: {  	_ =	shalt  }
0x63: {  	_ =	shalt  }
0x64: {  	_ =	shalt  }
0x65: {  	_ =	shalt  }
0x66: {  	_ =	shalt  }
0x67: {  	_ =	shalt  }
0x68: {  	_ =	shalt  }
0x69: {  	_ =	shalt  }
0x6a: {  	_ =	shalt  }
0x6b: {  	_ =	shalt  }
0x6c: {  	_ =	shalt  }
0x6d: {  	_ =	shalt  }
0x6e: {  	_ =	shalt  }
0x6f: {  	_ =	shalt  }
0x70: {  	_ =	shalt  }
0x71: {  	_ =	shalt  }
0x72: {  	_ =	shalt  }
0x73: {  	_ =	shalt  }
0x74: {  	_ =	shalt  }
0x75: {  	_ =	shalt  }
0x76: {  	_ =	shalt  }
0x77: {  	_ =	shalt  }
0x78: {  	_ =	shalt  }
0x79: {  	_ =	shalt  }
0x7a: {  	_ =	shalt  }
0x7b: {  	_ =	shalt  }
0x7c: {  	_ =	shalt  }
0x7d: {  	_ =	shalt  }
0x7e: {  	_ =	shalt  }
0x7f: {  	_ =	shalt  }
0x80: {  	_ =	shalt  }
0x81: {  	_ =	shalt  }
0x82: {  	_ =	shalt  }
0x83: {  	_ =	shalt  }
0x84: {  	_ =	shalt  }
0x85: {  	_ =	shalt  }
0x86: {  	_ =	shalt  }
0x87: {  	_ =	shalt  }
.Lfunc_end0:
.L_simem_size_0:
called_computation_lowered:
.L_overlay_start_0:
0x88: {  	s0 =	sld [smem:$0x3FD9]  }
0x89: {  	s1 =	sld [smem:$0x3FFE];
	_ =	sdelay $0x3  }
0x8a: {  	s0 =	sadd.s32 s1, s0  }
0x8b: {  	[smem:$0x3FA9] =	sst s0  }
0x8c: {  	_ = 	snop  }
0x8d: {  	s0 =	sld [smem:$0x3FD0];
	(tm) =	ssettm $0x1  }
0x8e: {  	s16 =	sld [smem:$0x3FFB];
	_ =	sdelay $0x3  }
0x8f: {  	_ =	strace s16  }
0x90: {  	s1 =	sld [smem:$0x3FFC];
	_ =	sdelay $0x3  }
0x91: {  	_ =	strace s1  }
0x92: {  	s1 =	sld [smem:$0x3FFD];
	_ =	sdelay $0x3  }
0x93: {  	_ =	strace s1  }
0x94: {  	_ =	strace $0x8FFFFFFF  }
0x95: {  	s17 =	sld [smem:$0x3FDB];
	_ =	sdelay $0x1  }
0x96: {  	s2 =	simm.s32 $_scs_section_size  }
0x97: {  	s3 =	simm.s32 $_size__tile_overlayer_lowered;
	s4 =	simm.s32 $_tile_overlayer_lowered  }
0x98: {  	s20 =	simm.s32 $0x1BFF;
	s19 =	sshll.u32 s4, $0x1;
	s1 =	sadd.s32 s2, s17  }
0x99: {  	s5 =	simm.s32 $0x0;
	s18 =	sshll.u32 s3, $0x1;
	s3 =	sadd.s32 s19, s1  }
0x9a: {  	[timem:s5], [sflag:s20] =	dma.local [hbm:s3], s18  }
0x9b: {  	_ =	swait.ge [sflag:s20], s18  }
0x9c: {  	s2 =	ssub.s32 $0x0, s18;
	[sflag:s20] =	ssyncset.done $0x0  }
0x9d: {  	[sflag:s20] =	ssyncadd.s32 s2;
	_ =	sdelay $0x1  }
0x9e: {  	s21 =	simm.s32 $0x1B8B  }
0x9f: {  	_ =	swait.ge [sflag:s21], $0x1  }
0xa0: {  	[sflag:s21] =	ssyncset.done $0x0  }
0xa1: {  	s23 =	simm.s32 $0x1B8E;
	s22 =	sld [smem:$0x3FFE];
	[sflag:s21] =	ssyncadd.s32 $0xFFFFFFFF  }
0xa2: {  	s24 =	simm.s32 $execute0_lowered;
	[smem:$0x3FD2] =	sst s23  }
0xa3: {  	s3 =	sshll.u32 s24, $0x1;
	_ =	strace $0x80000046;
	[dreg:$0x1] =	wrdreg $0xFFFFFFFF  }
0xa4: {  	s25 =	simm.s32 $_size_execute0_lowered;
	s1 =	sadd.s32 s1, s3;
	[dreg:$0x0] =	wrdreg $0x0  }
0xa5: {  	s3 =	sshll.u32 s25, $0x1;
	[dreg:$0x2] =	wrdreg s1  }
0xa6: {  	[dreg:$0x3] =	wrdreg s3  }
0xa7: {  	[dreg:$0x4] =	wrdreg $0xC0  }
0xa8: {  	_ =	task [dreg:s5], $0x5FFFF  }
0xa9: {  	[dreg:$0x1] =	wrdreg $0xFFFFFFFF  }
0xaa: {  	[dreg:$0x0] =	wrdreg $0x60  }
0xab: {  	[dreg:$0x2] =	wrdreg s22  }
0xac: {  	[dreg:$0x3] =	wrdreg s0  }
0xad: {  	[dreg:$0x4] =	wrdreg $0x9  }
0xae: {  	_ =	task.clear_ibuf [dreg:s5], $0x5FFFF;
	_ =	strace $0x90000046  }
0xaf: {  	s26 =	simm.s32 $0x9;
	_ =	strace $0x80000048  }
0xb0: {  	_ =	swait.ge [sflag:s26], $0x1  }
0xb1: {  	[sflag:s26] =	ssyncadd.s32 $0xFFFFFFFF  }
0xb2: {  	_ =	strace $0x90000048  }
0xb3: {  	_ =	sfence  }
0xb4: {  	s28 =	sld [smem:$0x0];
	_ =	sdelay $0x1  }
0xb5: {  	s29 =	srdreg.scid  }
0xb6: {  	s30 =	sshll.u32 s29, $0xD;
	s31 =	sshrl.u32 s29, $0x2  }
0xb7: {  	s2 =	sand.u32 $0x4000, s30;
	s1 =	sand.u32 $0x1, s29;
	s0 =	sadd.s32 s31, s28  }
0xb8: {  	s1 =	sor.u32 s2, s1;
	s0 =	sshll.u32 s0, $0x11  }
0xb9: {  	s0 =	sor.u32 s0, s1  }
0xba: {  	s0 =	sadd.s32 $0x8F2B, s0  }
0xbb: {  	[sflag:s0] =	ssyncadd.remote.s32 $0x1  }
0xbc: {  	_ =	sfence.sel $0xFFFF  }
0xbd: {  	[dreg:$0x0] =	wrdreg $0xFFFFFFFF;
	(pc) =	sbr.abs _section_cstart, $3  }
0xbe: {  	[dreg:$0x1] =	wrdreg $0xFFFFFFFF  }
0xbf: {  	_ =	task.clear_ibuf [dreg:s5], $0x2FFFF;
	_ =	strace $0x9FFFFFFF  }
0xc0: {  	(tm) =	ssettm $0x7FFFFFFF  }
0xc1: {  	_ =	shalt  }
tec
execute0_lowered:
.L_overlay_start_1:
0x0: {  	(tag) =	ssettag $0x1  }
0x1: {  	s5 =	rddreg [dreg:$0x0]  }
0x2: {  	s3 =	rddreg [dreg:$0x1]  }
0x3: {  	s1 =	stileid.u32;
	s0 =	rddreg [dreg:$0x2];
	s2 =	simm.s32 $0x0  }
0x4: {  	s21 =	simm.s32 $0x880;
	s22 =	simm.s32 $0x1080;
	[smem:$0x7FF] =	sst s2  }
0x5: {  	s23 =	simm.s32 $0x1880;
	_ =	strace $0x80000047;
	[dreg:$0x5] =	wrdreg s21  }
0x6: {  	s24 =	simm.s32 $0x2080;
	s25 =	simm.s32 $0x2880;
	[dreg:$0x6] =	wrdreg s22  }
0x7: {  	s26 =	simm.s32 $0x3080;
	s29 =	simm.s32 $0x3880;
	[dreg:$0x7] =	wrdreg s23  }
0x8: {  	s9 =	simm.s32 $0x4080;
	s30 =	simm.s32 $0x4880;
	[dreg:$0x8] =	wrdreg s24  }
0x9: {  	s31 =	simm.s32 $0x5880;
	s10 =	simm.s32 $0x5C80;
	[dreg:$0x9] =	wrdreg s25  }
0xa: {  	s11 =	simm.s32 $0x6480;
	s12 =	simm.s32 $0x6880;
	[dreg:$0xa] =	wrdreg s26  }
0xb: {  	s13 =	simm.s32 $0x7480;
	s14 =	simm.s32 $0x7C80;
	[dreg:$0xb] =	wrdreg s29  }
0xc: {  	s15 =	simm.s32 $0x8080;
	s16 =	simm.s32 $0x8880;
	[dreg:$0xc] =	wrdreg s9  }
0xd: {  	s17 =	simm.s32 $0x8C80;
	s18 =	simm.s32 $0x9480;
	[dreg:$0xd] =	wrdreg s30  }
0xe: {  	s19 =	simm.s32 $0x9880;
	s4 =	smul.u32 $0x9C4, s1;
	[dreg:$0xe] =	wrdreg s31  }
0xf: {  	s28 =	simm.s32 $0x0;
	s7 =	smul.u32 $0x9C400, s1;
	[dreg:$0xf] =	wrdreg s10  }
0x10: {  	s8 =	smul.u32 $0xEA600, s1;
	s9 =	simm.s32 $0x80;
	[dreg:$0x10] =	wrdreg s11  }
0x11: {  	s10 =	simm.s32 $0x1;
	s11 =	simm.s32 $0x5080;
	[dreg:$0x11] =	wrdreg s12  }
0x12: {  	s12 =	simm.s32 $0x7080;
	s21 =	simm.s32 $0xA480;
	s22 =	simm.s32 $0xAC80  }
0x13: {  	s23 =	simm.s32 $0xB080;
	s24 =	simm.s32 $0xB880;
	s25 =	simm.s32 $0xBC80  }
0x14: {  	s26 =	simm.s32 $0xC480;
	s6 =	sadd.s32 s4, s5;
	s3 =	sadd.s32 s4, s3  }
0x15: {  	s4 =	sadd.s32 $0xF200, s5;
	s7 =	sadd.s32 s7, s5;
	s8 =	sadd.s32 s8, s5  }
0x16: {  	v2 =	vlaneseq.u32;
	[dreg:$0x3] =	wrdreg s3;
	s20 =	sadd.s32 $0x5200, s6;
	s3 =	sadd.s32 $0x84600, s5  }
0x17: {  	vm0 =	vmmov $0xffff;
	vm1 =	vmmov $0xff;
	v1 =	vshrl.u32 v2, $0x3;
	s5 =	sadd.s32 $0xF300, s5;
	s6 =	sadd.s32 $0xD2800, s7;
	s7 =	sadd.s32 $0xA96800, s8  }
0x18: {  	v0 =	vand.u32 $0x7, v2;
	v2 =	vor.u32 $0x8, v2;
	v1 =	vmul.u32 $0x8, v1;
	s8 =	simm.s32 $0x2;
	[dreg:$0x4] =	wrdreg s20;
	s20 =	simm.s32 $0xA080  }
.LBB2_1:
0x19: {  	s29 =	rddreg [dreg:$0x4]  }
0x1a: {  	s29 =	sadd.s32 s28, s29  }
0x1b: {  	[tilespmem:s2], [sflag:$0x2] =	stream.linear.gather [hbm4b:s29+s2], $0x50, $0x38;
	[tilespmem:$0xC880] =	vst v63  }
0x1c: {  	_ =	swait.ge [sflag:s8], $0x50  }
0x1d: {  	[sflag:s8] =	ssyncset.done $0x0  }
0x1e: {  	[sflag:s8] =	ssyncadd.s32 $0xFFFFFFB0  }
0x1f: {  	v3 =	vld [tilespmem:$0x0];
	_ =	sdelay $0x4  }
0x20: {  	v4 =	vshll.u32 v3, $0x1  }
0x21: {  	v3 =	vand.u32 $0x7, v3;
	v4 =	vand.u32 $0xFFFFFFF0, v4  }
0x22: {  	v3 =	vor.u32 v3, v4  }
0x23: {  	v4 =	vperm.xlane v3, v0;
	_ =	sdelay $0x1  }
0x24: {  	v3 =	vperm.xlane v3, v2;
	v4 =	vadd.s32 v1, v4;
	_ =	sdelay $0x1  }
0x25: {  	v3 =	vadd.s32 v1, v3;
	_ =	sdelay $0x2  }
0x26: {  	[tilespmem:s9], [sflag:$0x1] =	stream.indirect_vreg.gather [hbm4b:s3+s2], $0x80, v4, vm0, $0xb8;
	[tilespmem:$0xC880] =	vst v63  }
0x27: {  	s30 =	rddreg [dreg:$0x5]  }
0x28: {  	[tilespmem:s30], [sflag:$0x1] =	stream.indirect_vreg.gather [hbm4b:s3+s2], $0x80, v3, vm0, $0xb8;
	[tilespmem:$0xC880] =	vst v63  }
0x29: {  	v3 =	vld [tilespmem:$0x10];
	_ =	sdelay $0x4  }
0x2a: {  	v55 =	vshll.u32 v3, $0x1  }
0x2b: {  	v3 =	vand.u32 $0x7, v3;
	v4 =	vand.u32 $0xFFFFFFF0, v55  }
0x2c: {  	v3 =	vor.u32 v3, v4  }
0x2d: {  	v4 =	vperm.xlane v3, v0;
	_ =	sdelay $0x1  }
0x2e: {  	v3 =	vperm.xlane v3, v2;
	v4 =	vadd.s32 v1, v4;
	_ =	sdelay $0x1  }
0x2f: {  	v3 =	vadd.s32 v1, v3;
	_ =	sdelay $0x1  }
0x30: {  	s31 =	rddreg [dreg:$0x6]  }
0x31: {  	[tilespmem:s31], [sflag:$0x1] =	stream.indirect_vreg.gather [hbm4b:s3+s2], $0x80, v4, vm0, $0xb8;
	[tilespmem:$0xC880] =	vst v63  }
0x32: {  	s30 =	rddreg [dreg:$0x7]  }
0x33: {  	[tilespmem:s30], [sflag:$0x1] =	stream.indirect_vreg.gather [hbm4b:s3+s2], $0x80, v3, vm0, $0xb8;
	[tilespmem:$0xC880] =	vst v63  }
0x34: {  	v3 =	vld [tilespmem:$0x20];
	_ =	sdelay $0x4  }
0x35: {  	v56 =	vshll.u32 v3, $0x1  }
0x36: {  	v3 =	vand.u32 $0x7, v3;
	v4 =	vand.u32 $0xFFFFFFF0, v56  }
0x37: {  	v3 =	vor.u32 v3, v4  }
0x38: {  	v4 =	vperm.xlane v3, v0;
	_ =	sdelay $0x1  }
0x39: {  	v3 =	vperm.xlane v3, v2;
	v4 =	vadd.s32 v1, v4;
	_ =	sdelay $0x1  }
0x3a: {  	v3 =	vadd.s32 v1, v3;
	_ =	sdelay $0x1  }
0x3b: {  	s29 =	rddreg [dreg:$0x8]  }
0x3c: {  	[tilespmem:s29], [sflag:$0x1] =	stream.indirect_vreg.gather [hbm4b:s3+s2], $0x80, v4, vm0, $0xb8;
	[tilespmem:$0xC880] =	vst v63  }
0x3d: {  	s31 =	rddreg [dreg:$0x9]  }
0x3e: {  	[tilespmem:s31], [sflag:$0x1] =	stream.indirect_vreg.gather [hbm4b:s3+s2], $0x80, v3, vm0, $0xb8;
	[tilespmem:$0xC880] =	vst v63  }
0x3f: {  	v3 =	vld [tilespmem:$0x30];
	_ =	sdelay $0x4  }
0x40: {  	v57 =	vshll.u32 v3, $0x1  }
0x41: {  	v3 =	vand.u32 $0x7, v3;
	v4 =	vand.u32 $0xFFFFFFF0, v57  }
0x42: {  	v3 =	vor.u32 v3, v4  }
0x43: {  	v4 =	vperm.xlane v3, v0;
	_ =	sdelay $0x1  }
0x44: {  	v3 =	vperm.xlane v3, v2;
	v4 =	vadd.s32 v1, v4;
	_ =	sdelay $0x1  }
0x45: {  	v3 =	vadd.s32 v1, v3;
	_ =	sdelay $0x1  }
0x46: {  	s29 =	rddreg [dreg:$0xa]  }
0x47: {  	[tilespmem:s29], [sflag:$0x1] =	stream.indirect_vreg.gather [hbm4b:s3+s2], $0x80, v4, vm0, $0xb8;
	[tilespmem:$0xC880] =	vst v63  }
0x48: {  	s31 =	rddreg [dreg:$0xb]  }
0x49: {  	[tilespmem:s31], [sflag:$0x1] =	stream.indirect_vreg.gather [hbm4b:s3+s2], $0x80, v3, vm0, $0xb8;
	[tilespmem:$0xC880] =	vst v63  }
0x4a: {  	v3 =	vld [tilespmem:$0x40];
	_ =	sdelay $0x4  }
0x4b: {  	v58 =	vshll.u32 v3, $0x1  }
0x4c: {  	v3 =	vand.u32 $0x7, v3;
	v4 =	vand.u32 $0xFFFFFFF0, v58  }
0x4d: {  	v3 =	vor.u32 v3, v4  }
0x4e: {  	v4 =	vperm.xlane v3, v0;
	_ =	sdelay $0x1  }
0x4f: {  	v3 =	vperm.xlane v3, v2;
	v4 =	vadd.s32 v1, v4;
	_ =	sdelay $0x1  }
0x50: {  	v3 =	vadd.s32 v1, v3;
	_ =	sdelay $0x1  }
0x51: {  	s29 =	rddreg [dreg:$0xc]  }
0x52: {  	[tilespmem:s29], [sflag:$0x1] =	stream.indirect_vreg.gather [hbm4b:s3+s2], $0x80, v4, vm0, $0xb8;
	[tilespmem:$0xC880] =	vst v63  }
0x53: {  	s31 =	rddreg [dreg:$0xd]  }
0x54: {  	[tilespmem:s31], [sflag:$0x1] =	stream.indirect_vreg.gather [hbm4b:s3+s2], $0x80, v3, vm0, $0xb8;
	[tilespmem:$0xC880] =	vst v63  }
0x55: {  	_ =	swait.ge [sflag:s10], $0x5000  }
0x56: {  	[sflag:s10] =	ssyncset.done $0x0  }
0x57: {  	[sflag:s10] =	ssyncadd.s32 $0xFFFFB000  }
0x58: {  	[hbm4b:s6+s2] =	stream.linear.scatter [tilespmem:s9], [sflag:$0x2], $0x5000, $0x38;
	[tilespmem:$0xC880] =	vst v63  }
0x59: {  	_ =	swait.ge [sflag:s8], $0x5000  }
0x5a: {  	s30 =	rddreg [dreg:$0x3];
	[sflag:s8] =	ssyncset.done $0x0  }
0x5b: {  	[sflag:s8] =	ssyncadd.s32 $0xFFFFB000;
	s29 =	sadd.s32 s28, s30  }
0x5c: {  	[tilespmem:s2], [sflag:$0x2] =	stream.linear.gather [hbm4b:s29+s2], $0x50, $0x38;
	[tilespmem:$0xC880] =	vst v63  }
0x5d: {  	_ =	swait.ge [sflag:s8], $0x50  }
0x5e: {  	[sflag:s8] =	ssyncset.done $0x0  }
0x5f: {  	[sflag:s8] =	ssyncadd.s32 $0xFFFFFFB0  }
0x60: {  	v3 =	vld [tilespmem:$0x0];
	_ =	sdelay $0x4  }
0x61: {  	v59 =	vshrl.u32 v3, $0x3  }
0x62: {  	v4 =	vmul.u32 $0x18, v59  }
0x63: {  	v3 =	vand.u32 $0x7, v3  }
0x64: {  	v3 =	vor.u32 v3, v4  }
0x65: {  	v4 =	vperm.xlane v3, v0;
	_ =	sdelay $0x1  }
0x66: {  	v4 =	vadd.s32 v1, v4;
	_ =	sdelay $0x1  }
0x67: {  	v3 =	vperm.xlane v3, v2;
	_ =	sdelay $0x1  }
0x68: {  	v3 =	vadd.s32 v1, v3  }
0x69: {  	[tilespmem:s11], [sflag:$0x1] =	stream.indirect_vreg.gather [hbm4b:s4+s2], $0x80, v4, vm0, $0xb8;
	[tilespmem:$0xC880] =	vst v63  }
0x6a: {  	s31 =	rddreg [dreg:$0xe]  }
0x6b: {  	[tilespmem:s31], [sflag:$0x1] =	stream.indirect_vreg.gather [hbm4b:s5+s2], $0x80, v4, vm1, $0xb8;
	[tilespmem:$0xC880] =	vst v63  }
0x6c: {  	s30 =	rddreg [dreg:$0xf]  }
0x6d: {  	[tilespmem:s30], [sflag:$0x1] =	stream.indirect_vreg.gather [hbm4b:s4+s2], $0x80, v3, vm0, $0xb8;
	[tilespmem:$0xC880] =	vst v63  }
0x6e: {  	s31 =	rddreg [dreg:$0x10]  }
0x6f: {  	[tilespmem:s31], [sflag:$0x1] =	stream.indirect_vreg.gather [hbm4b:s5+s2], $0x80, v3, vm1, $0xb8;
	[tilespmem:$0xC880] =	vst v63  }
0x70: {  	v3 =	vld [tilespmem:$0x10];
	_ =	sdelay $0x4  }
0x71: {  	v60 =	vshrl.u32 v3, $0x3  }
0x72: {  	v4 =	vmul.u32 $0x18, v60  }
0x73: {  	v3 =	vand.u32 $0x7, v3  }
0x74: {  	v3 =	vor.u32 v3, v4  }
0x75: {  	v4 =	vperm.xlane v3, v0;
	_ =	sdelay $0x1  }
0x76: {  	v4 =	vadd.s32 v1, v4;
	_ =	sdelay $0x1  }
0x77: {  	v3 =	vperm.xlane v3, v2;
	_ =	sdelay $0x1  }
0x78: {  	s31 =	rddreg [dreg:$0x11];
	v3 =	vadd.s32 v1, v3  }
0x79: {  	[tilespmem:s31], [sflag:$0x1] =	stream.indirect_vreg.gather [hbm4b:s4+s2], $0x80, v4, vm0, $0xb8;
	[tilespmem:$0xC880] =	vst v63  }
0x7a: {  	_ = 	snop  }
0x7b: {  	[tilespmem:s12], [sflag:$0x1] =	stream.indirect_vreg.gather [hbm4b:s5+s2], $0x80, v4, vm1, $0xb8;
	[tilespmem:$0xC880] =	vst v63  }
0x7c: {  	_ = 	snop  }
0x7d: {  	[tilespmem:s13], [sflag:$0x1] =	stream.indirect_vreg.gather [hbm4b:s4+s2], $0x80, v3, vm0, $0xb8;
	[tilespmem:$0xC880] =	vst v63  }
0x7e: {  	_ = 	snop  }
0x7f: {  	[tilespmem:s14], [sflag:$0x1] =	stream.indirect_vreg.gather [hbm4b:s5+s2], $0x80, v3, vm1, $0xb8;
	[tilespmem:$0xC880] =	vst v63  }
0x80: {  	v3 =	vld [tilespmem:$0x20];
	_ =	sdelay $0x4  }
0x81: {  	v61 =	vshrl.u32 v3, $0x3  }
0x82: {  	v4 =	vmul.u32 $0x18, v61  }
0x83: {  	v3 =	vand.u32 $0x7, v3  }
0x84: {  	v3 =	vor.u32 v3, v4  }
0x85: {  	v4 =	vperm.xlane v3, v0;
	_ =	sdelay $0x1  }
0x86: {  	v4 =	vadd.s32 v1, v4;
	_ =	sdelay $0x1  }
0x87: {  	v3 =	vperm.xlane v3, v2;
	_ =	sdelay $0x1  }
0x88: {  	v3 =	vadd.s32 v1, v3  }
0x89: {  	[tilespmem:s15], [sflag:$0x1] =	stream.indirect_vreg.gather [hbm4b:s4+s2], $0x80, v4, vm0, $0xb8;
	[tilespmem:$0xC880] =	vst v63  }
0x8a: {  	_ = 	snop  }
0x8b: {  	[tilespmem:s16], [sflag:$0x1] =	stream.indirect_vreg.gather [hbm4b:s5+s2], $0x80, v4, vm1, $0xb8;
	[tilespmem:$0xC880] =	vst v63  }
0x8c: {  	_ = 	snop  }
0x8d: {  	[tilespmem:s17], [sflag:$0x1] =	stream.indirect_vreg.gather [hbm4b:s4+s2], $0x80, v3, vm0, $0xb8;
	[tilespmem:$0xC880] =	vst v63  }
0x8e: {  	_ = 	snop  }
0x8f: {  	[tilespmem:s18], [sflag:$0x1] =	stream.indirect_vreg.gather [hbm4b:s5+s2], $0x80, v3, vm1, $0xb8;
	[tilespmem:$0xC880] =	vst v63  }
0x90: {  	v3 =	vld [tilespmem:$0x30];
	_ =	sdelay $0x4  }
0x91: {  	v62 =	vshrl.u32 v3, $0x3  }
0x92: {  	v4 =	vmul.u32 $0x18, v62  }
0x93: {  	v3 =	vand.u32 $0x7, v3  }
0x94: {  	v3 =	vor.u32 v3, v4  }
0x95: {  	v4 =	vperm.xlane v3, v0;
	_ =	sdelay $0x1  }
0x96: {  	v4 =	vadd.s32 v1, v4;
	_ =	sdelay $0x1  }
0x97: {  	v3 =	vperm.xlane v3, v2;
	_ =	sdelay $0x1  }
0x98: {  	v3 =	vadd.s32 v1, v3  }
0x99: {  	[tilespmem:s19], [sflag:$0x1] =	stream.indirect_vreg.gather [hbm4b:s4+s2], $0x80, v4, vm0, $0xb8;
	[tilespmem:$0xC880] =	vst v63  }
0x9a: {  	_ = 	snop  }
0x9b: {  	[tilespmem:s20], [sflag:$0x1] =	stream.indirect_vreg.gather [hbm4b:s5+s2], $0x80, v4, vm1, $0xb8;
	[tilespmem:$0xC880] =	vst v63  }
0x9c: {  	_ = 	snop  }
0x9d: {  	[tilespmem:s21], [sflag:$0x1] =	stream.indirect_vreg.gather [hbm4b:s4+s2], $0x80, v3, vm0, $0xb8;
	[tilespmem:$0xC880] =	vst v63  }
0x9e: {  	_ = 	snop  }
0x9f: {  	[tilespmem:s22], [sflag:$0x1] =	stream.indirect_vreg.gather [hbm4b:s5+s2], $0x80, v3, vm1, $0xb8;
	[tilespmem:$0xC880] =	vst v63  }
0xa0: {  	v3 =	vld [tilespmem:$0x40];
	_ =	sdelay $0x4  }
0xa1: {  	v63 =	vshrl.u32 v3, $0x3  }
0xa2: {  	v4 =	vmul.u32 $0x18, v63  }
0xa3: {  	v3 =	vand.u32 $0x7, v3  }
0xa4: {  	v3 =	vor.u32 v3, v4  }
0xa5: {  	v4 =	vperm.xlane v3, v0;
	_ =	sdelay $0x1  }
0xa6: {  	v4 =	vadd.s32 v1, v4;
	_ =	sdelay $0x1  }
0xa7: {  	v3 =	vperm.xlane v3, v2;
	_ =	sdelay $0x1  }
0xa8: {  	v3 =	vadd.s32 v1, v3  }
0xa9: {  	[tilespmem:s23], [sflag:$0x1] =	stream.indirect_vreg.gather [hbm4b:s4+s2], $0x80, v4, vm0, $0xb8;
	[tilespmem:$0xC880] =	vst v63  }
0xaa: {  	_ = 	snop  }
0xab: {  	[tilespmem:s24], [sflag:$0x1] =	stream.indirect_vreg.gather [hbm4b:s5+s2], $0x80, v4, vm1, $0xb8;
	[tilespmem:$0xC880] =	vst v63  }
0xac: {  	_ = 	snop  }
0xad: {  	[tilespmem:s25], [sflag:$0x1] =	stream.indirect_vreg.gather [hbm4b:s4+s2], $0x80, v3, vm0, $0xb8;
	[tilespmem:$0xC880] =	vst v63  }
0xae: {  	_ = 	snop  }
0xaf: {  	[tilespmem:s26], [sflag:$0x1] =	stream.indirect_vreg.gather [hbm4b:s5+s2], $0x80, v3, vm1, $0xb8;
	[tilespmem:$0xC880] =	vst v63  }
0xb0: {  	_ =	swait.ge [sflag:s10], $0x7800  }
0xb1: {  	p0 =	sne.s32 s28, $0x9BA;
	[sflag:s10] =	ssyncset.done $0x0  }
.Ltmp0:
0xb2: {  	[sflag:s10] =	ssyncadd.s32 $0xFFFF8800;
	(pc) =	sbr.rel @p0 .LBB2_1-.Ltmp0, $4  }
0xb3: {  	[hbm4b:s7+s2] =	stream.linear.scatter [tilespmem:s11], [sflag:$0x2], $0x7800, $0x38;
	[tilespmem:$0xC880] =	vst v63  }
0xb4: {  	_ =	swait.ge [sflag:s8], $0x7800  }
0xb5: {  	s6 =	sadd.s32 $0xA00, s6;
	[sflag:s8] =	ssyncset.done $0x0  }
0xb6: {  	s28 =	sadd.s32 $0xA, s28;
	s7 =	sadd.s32 $0xF00, s7;
	[sflag:s8] =	ssyncadd.s32 $0xFFFF8800  }
0xb7: {  	_ =	sfence.sel $0x180000  }
0xb8: {  	[bflag:$0x0] =	sbarrier.arrive $0xFFFF  }
0xb9: {  	p0 =	sne.s32 s1, $0x0;
	_ =	strace $0x90000047  }
0xba: {  	s0 =	sadd.s32 @!p0 $0x100000, s0;
	[bflag:$0x2] =	sbarrier.arrive $0xFFFF  }
0xbb: {  	[sflag:s0] =	ssyncadd.tile.s32 @!p0 $0x1;
	_ =	shalt  }
.Lfunc_end2:
_tile_overlayer_lowered:
.L_overlay_start_2:
0xbc: {  	(tag) =	ssettag $0x2  }
0xbd: {  	s0 =	rddreg [dreg:$0x0];
	s2 =	stileid.u32  }
0xbe: {  	s1 =	rddreg [dreg:$0x1];
	p0 =	sne.s32 s2, $0x0  }
0xbf: {  	s3 =	rddreg [dreg:$0x2];
	[bflag:$0x3] =	sbarrier.arrive $0xFFFF;
	s2 =	simm.s32 @!p0 $0x1C02  }
0xc0: {  	[timem:s3], [sflag:s2] =	dma.local @!p0 [hbm:s0], s1  }
0xc1: {  	s0 =	simm.s32 @!p0 $0x2  }
0xc2: {  	_ =	swait.ge @!p0 [sflag:s0], s1  }
0xc3: {  	s1 =	ssub.s32 @!p0 $0x0, s1;
	[sflag:s0] =	ssyncset.done @!p0 $0x0  }
0xc4: {  	[sflag:s0] =	ssyncadd.s32 @!p0 s1  }
0xc5: {  	[bflag:$0x3] =	sbarrier.arrive $0xFFFF  }
0xc6: {  	_ =	shalt  }

</sc_bundles>
